<compile_context>
chip_gen: v7x
topology: tpu7x:2x2x1
jax: 0.10.2.dev20260603
libtpu: 0.0.44.dev20260713+nightly
codegen_flags: <defaults>
</compile_context>

<pallas_src>
import functools

import jax
import jax.numpy as jnp
from jax import lax
from jax.experimental import pallas as pl
from jax.experimental.pallas import tpu as pltpu
from jax.experimental.pallas import tpu_sc as plsc

NUM_CORES = 2
NUM_SUBCORES = 16
NUM_WORKERS = NUM_CORES * NUM_SUBCORES
CHUNK = 48
NBUF = 4


def kernel(x):
    B, C, H, W = x.shape
    HO = WO = 128
    SH, SW = H // HO, W // WO
    NR = B * C * HO
    per_w = NR // NUM_WORKERS
    n_chunks = per_w // CHUNK
    imgs_per_w = (B * C) // NUM_WORKERS

    x2 = x.reshape(B * C * H, W)

    mesh = plsc.VectorSubcoreMesh(
        core_axis_name="c",
        subcore_axis_name="s",
        num_cores=NUM_CORES,
        num_subcores=NUM_SUBCORES,
    )

    @functools.partial(
        pl.kernel,
        mesh=mesh,
        compiler_params=pltpu.CompilerParams(
            needs_layout_passes=False,
            disable_bounds_checks=True,
            disable_semaphore_checks=True,
        ),
        out_type=jax.ShapeDtypeStruct((NR, WO), jnp.float32),
        scratch_types=[
            pltpu.VMEM((NBUF * CHUNK,), jnp.int32),
            pltpu.VMEM((NBUF * CHUNK, W), jnp.float32),
            pltpu.VMEM((NBUF * CHUNK, WO), jnp.float32),
            pltpu.SemaphoreType.DMA((NBUF,)),
            pltpu.SemaphoreType.DMA((NBUF,)),
        ],
    )
    def run(x_hbm, out_hbm, idx_v, buf, obuf, sem_in, sem_out):
        wid = lax.axis_index("s") * NUM_CORES + lax.axis_index("c")
        base = wid * per_w
        lanes = lax.iota(jnp.int32, 16)

        def start_gather(c, slot):
            wbase = jnp.full((16,), wid * imgs_per_w * H, jnp.int32)
            for u in range(CHUNK // 16):
                g = lanes + (c * CHUNK + u * 16)
                img = g >> 7
                rem = g & 127
                idx_v[pl.ds(slot * CHUNK + u * 16, 16)] = (
                    wbase + img * H + rem * SH
                )
            pltpu.make_async_copy(
                x_hbm.at[idx_v.at[pl.ds(slot * CHUNK, CHUNK)]],
                buf.at[pl.ds(slot * CHUNK, CHUNK)],
                sem_in.at[slot],
            ).start()

        def wait_gather(c, slot):
            pltpu.make_async_copy(
                x_hbm.at[idx_v.at[pl.ds(slot * CHUNK, CHUNK)]],
                buf.at[pl.ds(slot * CHUNK, CHUNK)],
                sem_in.at[slot],
            ).wait()

        def out_copy(c, slot):
            return pltpu.make_async_copy(
                obuf.at[pl.ds(slot * CHUNK, CHUNK)],
                out_hbm.at[pl.ds(base + c * CHUNK, CHUNK)],
                sem_out.at[slot],
            )

        def decimate(slot):
            @plsc.parallel_loop(0, CHUNK, unroll=4)
            def decimate_row(r):
                row = jnp.full((16,), slot * CHUNK, jnp.int32) + r
                for k in range(WO // 16):
                    cols = lanes * SW + (k * 16 * SW)
                    v = plsc.load_gather(buf, [row, cols])
                    obuf[slot * CHUNK + r, pl.ds(k * 16, 16)] = v

        for p in range(NBUF - 1):
            start_gather(p, p)

        def body(c, _):
            slot = lax.rem(c, NBUF)

            @pl.when(c + NBUF - 1 < n_chunks)
            def _():
                start_gather(c + NBUF - 1, lax.rem(c + NBUF - 1, NBUF))

            wait_gather(c, slot)

            @pl.when(c >= NBUF)
            def _():
                out_copy(c - NBUF, slot).wait()

            decimate(slot)
            out_copy(c, slot).start()
            return 0

        lax.fori_loop(0, n_chunks, body, 0, unroll=False)
        for t in range(NBUF):
            c = n_chunks - NBUF + t
            out_copy(c, c % NBUF).wait()

    out = run(x2)
    return out.reshape(B, C, HO, WO)

# --- scband reference (transcript-rebuilt; emitter-appended) ---
"""Pipeline reference for scband-resample-13365938225597 (READ-ONLY COPY).

The authoritative reference and input builder live on the scoring server;
editing this copy changes nothing except your own understanding.
"""

import jax, jax.numpy as jnp
import numpy as np

SIZE = 128

def setup_inputs(seed: int = 0) -> dict:
    key = jax.random.key(seed)
    x = jax.random.normal(key, (8, 96, 512, 512), dtype=jnp.float32)
    return {"x": x}

def reference(x):
    H = x.shape[2]
    W = x.shape[3]
    # torch.LongTensor(np.linspace(...)) truncates floats toward zero -> astype(int64)
    inds_1 = jnp.asarray(np.linspace(0, H, SIZE, endpoint=False).astype(np.int64))
    inds_2 = jnp.asarray(np.linspace(0, W, SIZE, endpoint=False).astype(np.int64))
    out = jnp.take(x, inds_1, axis=2)
    out = jnp.take(out, inds_2, axis=3)
    return out

if __name__ == "__main__":
    import jax
    _d = setup_inputs()
    print(jax.jit(kernel)(*tuple(_d.values())))

</pallas_src>

<mosaic_0001>
#map = affine_map<(d0, d1) -> (0, 0)>
module attributes {stable_mosaic.version = 14 : i64} {
  func.func @run(%arg0: i32, %arg1: i32, %arg2: memref<393216x512xf32, #tpu.memory_space<hbm>>, %arg3: memref<98304x128xf32, #tpu.memory_space<hbm>>, %arg4: memref<192xi32, #tpu.memory_space<vmem>>, %arg5: memref<192x512xf32, #tpu.memory_space<vmem>>, %arg6: memref<192x128xf32, #tpu.memory_space<vmem>>, %arg7: memref<4x!tpu.dma_semaphore, #tpu.memory_space<semaphore_mem>>, %arg8: memref<4x!tpu.dma_semaphore, #tpu.memory_space<semaphore_mem>>) attributes {dimension_semantics = [#tpu.dimension_semantics<core_parallel>, #tpu.dimension_semantics<subcore_parallel>], iteration_bounds = array<i64: 2, 16>, scalar_prefetch = 0 : i64, scratch_operands = 5 : i64, tpu.core_type = #tpu.core_type<sc_vector_subcore>, window_params = [{transform_indices = #map}, {transform_indices = #map}]} {
    %mul3A = arith.constant 2 : i32
    %mul3A_0 = arith.muli %arg1, %mul3A : i32
    %add3A = arith.addi %mul3A_0, %arg0 : i32
    %mul3A_1 = arith.constant 3072 : i32
    %mul3A_2 = arith.muli %add3A, %mul3A_1 : i32
    %iota3A = tpu.iota {dimensions = array<i32: 0>} : vector<16xi32>
    %mul3A_3 = arith.constant 24 : i32
    %mul3A_4 = arith.muli %add3A, %mul3A_3 : i32
    %mul3A_5 = arith.constant 512 : i32
    %mul3A_6 = arith.muli %mul3A_4, %mul3A_5 : i32
    %broadcast_in_dim3A = vector.broadcast %mul3A_6 : i32 to vector<16xi32>
    %add3A_7 = arith.constant 0 : i32
    %add3A_8 = vector.broadcast %add3A_7 : i32 to vector<16xi32>
    %add3A_9 = arith.addi %iota3A, %add3A_8 : vector<16xi32>
    %shift_right_arithmetic3A = arith.constant 7 : i32
    %shift_right_arithmetic3A_10 = vector.broadcast %shift_right_arithmetic3A : i32 to vector<16xi32>
    %shift_right_arithmetic3A_11 = arith.shrsi %add3A_9, %shift_right_arithmetic3A_10 : vector<16xi32>
    %and3A = arith.constant 127 : i32
    %and3A_12 = vector.broadcast %and3A : i32 to vector<16xi32>
    %and3A_13 = arith.andi %add3A_9, %and3A_12 : vector<16xi32>
    %mul3A_14 = arith.constant 512 : i32
    %mul3A_15 = vector.broadcast %mul3A_14 : i32 to vector<16xi32>
    %mul3A_16 = arith.muli %shift_right_arithmetic3A_11, %mul3A_15 : vector<16xi32>
    %add3A_17 = arith.addi %broadcast_in_dim3A, %mul3A_16 : vector<16xi32>
    %mul3A_18 = arith.constant 4 : i32
    %mul3A_19 = vector.broadcast %mul3A_18 : i32 to vector<16xi32>
    %mul3A_20 = arith.muli %and3A_13, %mul3A_19 : vector<16xi32>
    %add3A_21 = arith.addi %add3A_17, %mul3A_20 : vector<16xi32>
    %swap3A = arith.constant 0 : index
    %swap3A_22 = tpu.vector_load %arg4[%swap3A] {strides = array<i32>} : memref<192xi32, #tpu.memory_space<vmem>>, vector<16xi32>,
    tpu.vector_store %arg4[%swap3A], %add3A_21 {strides = array<i32>} : memref<192xi32, #tpu.memory_space<vmem>>, vector<16xi32>,
    %add3A_23 = arith.constant 16 : i32
    %add3A_24 = vector.broadcast %add3A_23 : i32 to vector<16xi32>
    %add3A_25 = arith.addi %iota3A, %add3A_24 : vector<16xi32>
    %shift_right_arithmetic3A_26 = arith.constant 7 : i32
    %shift_right_arithmetic3A_27 = vector.broadcast %shift_right_arithmetic3A_26 : i32 to vector<16xi32>
    %shift_right_arithmetic3A_28 = arith.shrsi %add3A_25, %shift_right_arithmetic3A_27 : vector<16xi32>
    %and3A_29 = arith.constant 127 : i32
    %and3A_30 = vector.broadcast %and3A_29 : i32 to vector<16xi32>
    %and3A_31 = arith.andi %add3A_25, %and3A_30 : vector<16xi32>
    %mul3A_32 = arith.constant 512 : i32
    %mul3A_33 = vector.broadcast %mul3A_32 : i32 to vector<16xi32>
    %mul3A_34 = arith.muli %shift_right_arithmetic3A_28, %mul3A_33 : vector<16xi32>
    %add3A_35 = arith.addi %broadcast_in_dim3A, %mul3A_34 : vector<16xi32>
    %mul3A_36 = arith.constant 4 : i32
    %mul3A_37 = vector.broadcast %mul3A_36 : i32 to vector<16xi32>
    %mul3A_38 = arith.muli %and3A_31, %mul3A_37 : vector<16xi32>
    %add3A_39 = arith.addi %add3A_35, %mul3A_38 : vector<16xi32>
    %swap3A_40 = arith.constant 16 : index
    %swap3A_41 = tpu.vector_load %arg4[%swap3A_40] {strides = array<i32>} : memref<192xi32, #tpu.memory_space<vmem>>, vector<16xi32>,
    tpu.vector_store %arg4[%swap3A_40], %add3A_39 {strides = array<i32>} : memref<192xi32, #tpu.memory_space<vmem>>, vector<16xi32>,
    %add3A_42 = arith.constant 32 : i32
    %add3A_43 = vector.broadcast %add3A_42 : i32 to vector<16xi32>
    %add3A_44 = arith.addi %iota3A, %add3A_43 : vector<16xi32>
    %shift_right_arithmetic3A_45 = arith.constant 7 : i32
    %shift_right_arithmetic3A_46 = vector.broadcast %shift_right_arithmetic3A_45 : i32 to vector<16xi32>
    %shift_right_arithmetic3A_47 = arith.shrsi %add3A_44, %shift_right_arithmetic3A_46 : vector<16xi32>
    %and3A_48 = arith.constant 127 : i32
    %and3A_49 = vector.broadcast %and3A_48 : i32 to vector<16xi32>
    %and3A_50 = arith.andi %add3A_44, %and3A_49 : vector<16xi32>
    %mul3A_51 = arith.constant 512 : i32
    %mul3A_52 = vector.broadcast %mul3A_51 : i32 to vector<16xi32>
    %mul3A_53 = arith.muli %shift_right_arithmetic3A_47, %mul3A_52 : vector<16xi32>
    %add3A_54 = arith.addi %broadcast_in_dim3A, %mul3A_53 : vector<16xi32>
    %mul3A_55 = arith.constant 4 : i32
    %mul3A_56 = vector.broadcast %mul3A_55 : i32 to vector<16xi32>
    %mul3A_57 = arith.muli %and3A_50, %mul3A_56 : vector<16xi32>
    %add3A_58 = arith.addi %add3A_54, %mul3A_57 : vector<16xi32>
    %swap3A_59 = arith.constant 32 : index
    %swap3A_60 = tpu.vector_load %arg4[%swap3A_59] {strides = array<i32>} : memref<192xi32, #tpu.memory_space<vmem>>, vector<16xi32>,
    tpu.vector_store %arg4[%swap3A_59], %add3A_58 {strides = array<i32>} : memref<192xi32, #tpu.memory_space<vmem>>, vector<16xi32>,
    %dma_start3A = arith.constant 0 : i32
    %dma_start3A_61 = arith.constant 0 : i32
    %dma_start3A_62 = arith.constant 0 : i32
    %dma_start3A_63 = tpu.memref_slice %arg5[%dma_start3A_61, %dma_start3A_62] : memref<192x512xf32, #tpu.memory_space<vmem>> -> memref<48x512xf32, #tpu.memory_space<vmem>>
    %dma_start3A_64 = arith.constant 0 : i32
    %dma_start3A_65 = tpu.memref_slice %arg4[%dma_start3A_64] : memref<192xi32, #tpu.memory_space<vmem>> -> memref<48xi32, #tpu.memory_space<vmem>>
    %dma_start3A_66 = arith.constant 0 : i32
    %dma_start3A_67 = arith.constant 0 : i32
    %dma_start3A_68 = tpu.memref_slice %arg2[%dma_start3A_66, %dma_start3A_67] : memref<393216x512xf32, #tpu.memory_space<hbm>> -> memref<393216x512xf32, #tpu.memory_space<hbm>>
    %dma_start3A_69 = tpu.memref_slice %arg7[%dma_start3A] : memref<4x!tpu.dma_semaphore, #tpu.memory_space<semaphore_mem>> -> memref<1x!tpu.dma_semaphore, #tpu.memory_space<semaphore_mem>>
    %dma_start3A_70 = tpu.memref_squeeze %dma_start3A_69 : memref<1x!tpu.dma_semaphore, #tpu.memory_space<semaphore_mem>> -> memref<!tpu.dma_semaphore, #tpu.memory_space<semaphore_mem>>
    tpu.enqueue_indirect_dma source(%dma_start3A_68 : memref<393216x512xf32, #tpu.memory_space<hbm>>) target(%dma_start3A_63 : memref<48x512xf32, #tpu.memory_space<vmem>>) offsets(%dma_start3A_65 : memref<48xi32, #tpu.memory_space<vmem>>) semaphore(%dma_start3A_70 : memref<!tpu.dma_semaphore, #tpu.memory_space<semaphore_mem>>)
    %mul3A_71 = arith.constant 24 : i32
    %mul3A_72 = arith.muli %add3A, %mul3A_71 : i32
    %mul3A_73 = arith.constant 512 : i32
    %mul3A_74 = arith.muli %mul3A_72, %mul3A_73 : i32
    %broadcast_in_dim3A_75 = vector.broadcast %mul3A_74 : i32 to vector<16xi32>
    %add3A_76 = arith.constant 48 : i32
    %add3A_77 = vector.broadcast %add3A_76 : i32 to vector<16xi32>
    %add3A_78 = arith.addi %iota3A, %add3A_77 : vector<16xi32>
    %shift_right_arithmetic3A_79 = arith.constant 7 : i32
    %shift_right_arithmetic3A_80 = vector.broadcast %shift_right_arithmetic3A_79 : i32 to vector<16xi32>
    %shift_right_arithmetic3A_81 = arith.shrsi %add3A_78, %shift_right_arithmetic3A_80 : vector<16xi32>
    %and3A_82 = arith.constant 127 : i32
    %and3A_83 = vector.broadcast %and3A_82 : i32 to vector<16xi32>
    %and3A_84 = arith.andi %add3A_78, %and3A_83 : vector<16xi32>
    %mul3A_85 = arith.constant 512 : i32
    %mul3A_86 = vector.broadcast %mul3A_85 : i32 to vector<16xi32>
    %mul3A_87 = arith.muli %shift_right_arithmetic3A_81, %mul3A_86 : vector<16xi32>
    %add3A_88 = arith.addi %broadcast_in_dim3A_75, %mul3A_87 : vector<16xi32>
    %mul3A_89 = arith.constant 4 : i32
    %mul3A_90 = vector.broadcast %mul3A_89 : i32 to vector<16xi32>
    %mul3A_91 = arith.muli %and3A_84, %mul3A_90 : vector<16xi32>
    %add3A_92 = arith.addi %add3A_88, %mul3A_91 : vector<16xi32>
    %swap3A_93 = arith.constant 48 : index
    %swap3A_94 = tpu.vector_load %arg4[%swap3A_93] {strides = array<i32>} : memref<192xi32, #tpu.memory_space<vmem>>, vector<16xi32>,
    tpu.vector_store %arg4[%swap3A_93], %add3A_92 {strides = array<i32>} : memref<192xi32, #tpu.memory_space<vmem>>, vector<16xi32>,
    %add3A_95 = arith.constant 64 : i32
    %add3A_96 = vector.broadcast %add3A_95 : i32 to vector<16xi32>
    %add3A_97 = arith.addi %iota3A, %add3A_96 : vector<16xi32>
    %shift_right_arithmetic3A_98 = arith.constant 7 : i32
    %shift_right_arithmetic3A_99 = vector.broadcast %shift_right_arithmetic3A_98 : i32 to vector<16xi32>
    %shift_right_arithmetic3A_100 = arith.shrsi %add3A_97, %shift_right_arithmetic3A_99 : vector<16xi32>
    %and3A_101 = arith.constant 127 : i32
    %and3A_102 = vector.broadcast %and3A_101 : i32 to vector<16xi32>
    %and3A_103 = arith.andi %add3A_97, %and3A_102 : vector<16xi32>
    %mul3A_104 = arith.constant 512 : i32
    %mul3A_105 = vector.broadcast %mul3A_104 : i32 to vector<16xi32>
    %mul3A_106 = arith.muli %shift_right_arithmetic3A_100, %mul3A_105 : vector<16xi32>
    %add3A_107 = arith.addi %broadcast_in_dim3A_75, %mul3A_106 : vector<16xi32>
    %mul3A_108 = arith.constant 4 : i32
    %mul3A_109 = vector.broadcast %mul3A_108 : i32 to vector<16xi32>
    %mul3A_110 = arith.muli %and3A_103, %mul3A_109 : vector<16xi32>
    %add3A_111 = arith.addi %add3A_107, %mul3A_110 : vector<16xi32>
    %swap3A_112 = arith.constant 64 : index
    %swap3A_113 = tpu.vector_load %arg4[%swap3A_112] {strides = array<i32>} : memref<192xi32, #tpu.memory_space<vmem>>, vector<16xi32>,
    tpu.vector_store %arg4[%swap3A_112], %add3A_111 {strides = array<i32>} : memref<192xi32, #tpu.memory_space<vmem>>, vector<16xi32>,
    %add3A_114 = arith.constant 80 : i32
    %add3A_115 = vector.broadcast %add3A_114 : i32 to vector<16xi32>
    %add3A_116 = arith.addi %iota3A, %add3A_115 : vector<16xi32>
    %shift_right_arithmetic3A_117 = arith.constant 7 : i32
    %shift_right_arithmetic3A_118 = vector.broadcast %shift_right_arithmetic3A_117 : i32 to vector<16xi32>
    %shift_right_arithmetic3A_119 = arith.shrsi %add3A_116, %shift_right_arithmetic3A_118 : vector<16xi32>
    %and3A_120 = arith.constant 127 : i32
    %and3A_121 = vector.broadcast %and3A_120 : i32 to vector<16xi32>
    %and3A_122 = arith.andi %add3A_116, %and3A_121 : vector<16xi32>
    %mul3A_123 = arith.constant 512 : i32
    %mul3A_124 = vector.broadcast %mul3A_123 : i32 to vector<16xi32>
    %mul3A_125 = arith.muli %shift_right_arithmetic3A_119, %mul3A_124 : vector<16xi32>
    %add3A_126 = arith.addi %broadcast_in_dim3A_75, %mul3A_125 : vector<16xi32>
    %mul3A_127 = arith.constant 4 : i32
    %mul3A_128 = vector.broadcast %mul3A_127 : i32 to vector<16xi32>
    %mul3A_129 = arith.muli %and3A_122, %mul3A_128 : vector<16xi32>
    %add3A_130 = arith.addi %add3A_126, %mul3A_129 : vector<16xi32>
    %swap3A_131 = arith.constant 80 : index
    %swap3A_132 = tpu.vector_load %arg4[%swap3A_131] {strides = array<i32>} : memref<192xi32, #tpu.memory_space<vmem>>, vector<16xi32>,
    tpu.vector_store %arg4[%swap3A_131], %add3A_130 {strides = array<i32>} : memref<192xi32, #tpu.memory_space<vmem>>, vector<16xi32>,
    %dma_start3A_133 = arith.constant 1 : i32
    %dma_start3A_134 = arith.constant 48 : i32
    %dma_start3A_135 = arith.constant 0 : i32
    %dma_start3A_136 = tpu.memref_slice %arg5[%dma_start3A_134, %dma_start3A_135] : memref<192x512xf32, #tpu.memory_space<vmem>> -> memref<48x512xf32, #tpu.memory_space<vmem>>
    %dma_start3A_137 = arith.constant 48 : i32
    %dma_start3A_138 = tpu.memref_slice %arg4[%dma_start3A_137] : memref<192xi32, #tpu.memory_space<vmem>> -> memref<48xi32, #tpu.memory_space<vmem>>
    %dma_start3A_139 = arith.constant 0 : i32
    %dma_start3A_140 = arith.constant 0 : i32
    %dma_start3A_141 = tpu.memref_slice %arg2[%dma_start3A_139, %dma_start3A_140] : memref<393216x512xf32, #tpu.memory_space<hbm>> -> memref<393216x512xf32, #tpu.memory_space<hbm>>
    %dma_start3A_142 = tpu.memref_slice %arg7[%dma_start3A_133] : memref<4x!tpu.dma_semaphore, #tpu.memory_space<semaphore_mem>> -> memref<1x!tpu.dma_semaphore, #tpu.memory_space<semaphore_mem>>
    %dma_start3A_143 = tpu.memref_squeeze %dma_start3A_142 : memref<1x!tpu.dma_semaphore, #tpu.memory_space<semaphore_mem>> -> memref<!tpu.dma_semaphore, #tpu.memory_space<semaphore_mem>>
    tpu.enqueue_indirect_dma source(%dma_start3A_141 : memref<393216x512xf32, #tpu.memory_space<hbm>>) target(%dma_start3A_136 : memref<48x512xf32, #tpu.memory_space<vmem>>) offsets(%dma_start3A_138 : memref<48xi32, #tpu.memory_space<vmem>>) semaphore(%dma_start3A_143 : memref<!tpu.dma_semaphore, #tpu.memory_space<semaphore_mem>>)
    %mul3A_144 = arith.constant 24 : i32
    %mul3A_145 = arith.muli %add3A, %mul3A_144 : i32
    %mul3A_146 = arith.constant 512 : i32
    %mul3A_147 = arith.muli %mul3A_145, %mul3A_146 : i32
    %broadcast_in_dim3A_148 = vector.broadcast %mul3A_147 : i32 to vector<16xi32>
    %add3A_149 = arith.constant 96 : i32
    %add3A_150 = vector.broadcast %add3A_149 : i32 to vector<16xi32>
    %add3A_151 = arith.addi %iota3A, %add3A_150 : vector<16xi32>
    %shift_right_arithmetic3A_152 = arith.constant 7 : i32
    %shift_right_arithmetic3A_153 = vector.broadcast %shift_right_arithmetic3A_152 : i32 to vector<16xi32>
    %shift_right_arithmetic3A_154 = arith.shrsi %add3A_151, %shift_right_arithmetic3A_153 : vector<16xi32>
    %and3A_155 = arith.constant 127 : i32
    %and3A_156 = vector.broadcast %and3A_155 : i32 to vector<16xi32>
    %and3A_157 = arith.andi %add3A_151, %and3A_156 : vector<16xi32>
    %mul3A_158 = arith.constant 512 : i32
    %mul3A_159 = vector.broadcast %mul3A_158 : i32 to vector<16xi32>
    %mul3A_160 = arith.muli %shift_right_arithmetic3A_154, %mul3A_159 : vector<16xi32>
    %add3A_161 = arith.addi %broadcast_in_dim3A_148, %mul3A_160 : vector<16xi32>
    %mul3A_162 = arith.constant 4 : i32
    %mul3A_163 = vector.broadcast %mul3A_162 : i32 to vector<16xi32>
    %mul3A_164 = arith.muli %and3A_157, %mul3A_163 : vector<16xi32>
    %add3A_165 = arith.addi %add3A_161, %mul3A_164 : vector<16xi32>
    %swap3A_166 = arith.constant 96 : index
    %swap3A_167 = tpu.vector_load %arg4[%swap3A_166] {strides = array<i32>} : memref<192xi32, #tpu.memory_space<vmem>>, vector<16xi32>,
    tpu.vector_store %arg4[%swap3A_166], %add3A_165 {strides = array<i32>} : memref<192xi32, #tpu.memory_space<vmem>>, vector<16xi32>,
    %add3A_168 = arith.constant 112 : i32
    %add3A_169 = vector.broadcast %add3A_168 : i32 to vector<16xi32>
    %add3A_170 = arith.addi %iota3A, %add3A_169 : vector<16xi32>
    %shift_right_arithmetic3A_171 = arith.constant 7 : i32
    %shift_right_arithmetic3A_172 = vector.broadcast %shift_right_arithmetic3A_171 : i32 to vector<16xi32>
    %shift_right_arithmetic3A_173 = arith.shrsi %add3A_170, %shift_right_arithmetic3A_172 : vector<16xi32>
    %and3A_174 = arith.constant 127 : i32
    %and3A_175 = vector.broadcast %and3A_174 : i32 to vector<16xi32>
    %and3A_176 = arith.andi %add3A_170, %and3A_175 : vector<16xi32>
    %mul3A_177 = arith.constant 512 : i32
    %mul3A_178 = vector.broadcast %mul3A_177 : i32 to vector<16xi32>
    %mul3A_179 = arith.muli %shift_right_arithmetic3A_173, %mul3A_178 : vector<16xi32>
    %add3A_180 = arith.addi %broadcast_in_dim3A_148, %mul3A_179 : vector<16xi32>
    %mul3A_181 = arith.constant 4 : i32
    %mul3A_182 = vector.broadcast %mul3A_181 : i32 to vector<16xi32>
    %mul3A_183 = arith.muli %and3A_176, %mul3A_182 : vector<16xi32>
    %add3A_184 = arith.addi %add3A_180, %mul3A_183 : vector<16xi32>
    %swap3A_185 = arith.constant 112 : index
    %swap3A_186 = tpu.vector_load %arg4[%swap3A_185] {strides = array<i32>} : memref<192xi32, #tpu.memory_space<vmem>>, vector<16xi32>,
    tpu.vector_store %arg4[%swap3A_185], %add3A_184 {strides = array<i32>} : memref<192xi32, #tpu.memory_space<vmem>>, vector<16xi32>,
    %add3A_187 = arith.constant 128 : i32
    %add3A_188 = vector.broadcast %add3A_187 : i32 to vector<16xi32>
    %add3A_189 = arith.addi %iota3A, %add3A_188 : vector<16xi32>
    %shift_right_arithmetic3A_190 = arith.constant 7 : i32
    %shift_right_arithmetic3A_191 = vector.broadcast %shift_right_arithmetic3A_190 : i32 to vector<16xi32>
    %shift_right_arithmetic3A_192 = arith.shrsi %add3A_189, %shift_right_arithmetic3A_191 : vector<16xi32>
    %and3A_193 = arith.constant 127 : i32
    %and3A_194 = vector.broadcast %and3A_193 : i32 to vector<16xi32>
    %and3A_195 = arith.andi %add3A_189, %and3A_194 : vector<16xi32>
    %mul3A_196 = arith.constant 512 : i32
    %mul3A_197 = vector.broadcast %mul3A_196 : i32 to vector<16xi32>
    %mul3A_198 = arith.muli %shift_right_arithmetic3A_192, %mul3A_197 : vector<16xi32>
    %add3A_199 = arith.addi %broadcast_in_dim3A_148, %mul3A_198 : vector<16xi32>
    %mul3A_200 = arith.constant 4 : i32
    %mul3A_201 = vector.broadcast %mul3A_200 : i32 to vector<16xi32>
    %mul3A_202 = arith.muli %and3A_195, %mul3A_201 : vector<16xi32>
    %add3A_203 = arith.addi %add3A_199, %mul3A_202 : vector<16xi32>
    %swap3A_204 = arith.constant 128 : index
    %swap3A_205 = tpu.vector_load %arg4[%swap3A_204] {strides = array<i32>} : memref<192xi32, #tpu.memory_space<vmem>>, vector<16xi32>,
    tpu.vector_store %arg4[%swap3A_204], %add3A_203 {strides = array<i32>} : memref<192xi32, #tpu.memory_space<vmem>>, vector<16xi32>,
    %dma_start3A_206 = arith.constant 2 : i32
    %dma_start3A_207 = arith.constant 96 : i32
    %dma_start3A_208 = arith.constant 0 : i32
    %dma_start3A_209 = tpu.memref_slice %arg5[%dma_start3A_207, %dma_start3A_208] : memref<192x512xf32, #tpu.memory_space<vmem>> -> memref<48x512xf32, #tpu.memory_space<vmem>>
    %dma_start3A_210 = arith.constant 96 : i32
    %dma_start3A_211 = tpu.memref_slice %arg4[%dma_start3A_210] : memref<192xi32, #tpu.memory_space<vmem>> -> memref<48xi32, #tpu.memory_space<vmem>>
    %dma_start3A_212 = arith.constant 0 : i32
    %dma_start3A_213 = arith.constant 0 : i32
    %dma_start3A_214 = tpu.memref_slice %arg2[%dma_start3A_212, %dma_start3A_213] : memref<393216x512xf32, #tpu.memory_space<hbm>> -> memref<393216x512xf32, #tpu.memory_space<hbm>>
    %dma_start3A_215 = tpu.memref_slice %arg7[%dma_start3A_206] : memref<4x!tpu.dma_semaphore, #tpu.memory_space<semaphore_mem>> -> memref<1x!tpu.dma_semaphore, #tpu.memory_space<semaphore_mem>>
    %dma_start3A_216 = tpu.memref_squeeze %dma_start3A_215 : memref<1x!tpu.dma_semaphore, #tpu.memory_space<semaphore_mem>> -> memref<!tpu.dma_semaphore, #tpu.memory_space<semaphore_mem>>
    tpu.enqueue_indirect_dma source(%dma_start3A_214 : memref<393216x512xf32, #tpu.memory_space<hbm>>) target(%dma_start3A_209 : memref<48x512xf32, #tpu.memory_space<vmem>>) offsets(%dma_start3A_211 : memref<48xi32, #tpu.memory_space<vmem>>) semaphore(%dma_start3A_216 : memref<!tpu.dma_semaphore, #tpu.memory_space<semaphore_mem>>)
    %scan3A = arith.constant 0 : i32
    %scan3A_217 = arith.constant 0 : i32
    %scan3A_218 = arith.constant 64 : i32
    %scan3A_219 = arith.addi %scan3A_217, %scan3A_218 : i32
    %scan3A_220 = arith.constant 1 : i32
    %scan3A_221 = scf.for %scan3A_282 = %scan3A_217 to %scan3A_219 step %scan3A_220 iter_args(%scan3A_283 = %scan3A) -> (i32)  : i32 {
      %rem3A = arith.constant 4 : i32
      %rem3A_284 = arith.remsi %scan3A_282, %rem3A : i32
      %add3A_285 = arith.constant 4 : i32
      %add3A_286 = arith.addi %scan3A_282, %add3A_285 : i32
      %sub3A = arith.constant 1 : i32
      %sub3A_287 = arith.subi %add3A_286, %sub3A : i32
      %lt3A = arith.constant 64 : i32
      %lt3A_288 = arith.cmpi slt, %sub3A_287, %lt3A : i32
      %convert_element_type3A = arith.extui %lt3A_288 : i1 to i32
      %cond3A = arith.constant 0 : i32
      %cond3A_289 = arith.cmpi ne, %convert_element_type3A, %cond3A : i32
      scf.if %cond3A_289 {
        %add3A_324 = arith.constant 4 : i32
        %add3A_325 = arith.addi %scan3A_282, %add3A_324 : i32
        %sub3A_326 = arith.constant 1 : i32
        %sub3A_327 = arith.subi %add3A_325, %sub3A_326 : i32
        %add3A_328 = arith.constant 4 : i32
        %add3A_329 = arith.addi %scan3A_282, %add3A_328 : i32
        %sub3A_330 = arith.constant 1 : i32
        %sub3A_331 = arith.subi %add3A_329, %sub3A_330 : i32
        %rem3A_332 = arith.constant 4 : i32
        %rem3A_333 = arith.remsi %sub3A_331, %rem3A_332 : i32
        %mul3A_334 = arith.constant 24 : i32
        %mul3A_335 = arith.muli %add3A, %mul3A_334 : i32
        %mul3A_336 = arith.constant 512 : i32
        %mul3A_337 = arith.muli %mul3A_335, %mul3A_336 : i32
        %broadcast_in_dim3A_338 = vector.broadcast %mul3A_337 : i32 to vector<16xi32>
        %mul3A_339 = arith.constant 48 : i32
        %mul3A_340 = arith.muli %sub3A_327, %mul3A_339 : i32
        %add3A_341 = arith.constant 0 : i32
        %add3A_342 = arith.addi %mul3A_340, %add3A_341 : i32
        %add3A_343 = vector.broadcast %add3A_342 : i32 to vector<16xi32>
        %add3A_344 = arith.addi %iota3A, %add3A_343 : vector<16xi32>
        %shift_right_arithmetic3A_345 = arith.constant 7 : i32
        %shift_right_arithmetic3A_346 = vector.broadcast %shift_right_arithmetic3A_345 : i32 to vector<16xi32>
        %shift_right_arithmetic3A_347 = arith.shrsi %add3A_344, %shift_right_arithmetic3A_346 : vector<16xi32>
        %and3A_348 = arith.constant 127 : i32
        %and3A_349 = vector.broadcast %and3A_348 : i32 to vector<16xi32>
        %and3A_350 = arith.andi %add3A_344, %and3A_349 : vector<16xi32>
        %mul3A_351 = arith.constant 512 : i32
        %mul3A_352 = vector.broadcast %mul3A_351 : i32 to vector<16xi32>
        %mul3A_353 = arith.muli %shift_right_arithmetic3A_347, %mul3A_352 : vector<16xi32>
        %add3A_354 = arith.addi %broadcast_in_dim3A_338, %mul3A_353 : vector<16xi32>
        %mul3A_355 = arith.constant 4 : i32
        %mul3A_356 = vector.broadcast %mul3A_355 : i32 to vector<16xi32>
        %mul3A_357 = arith.muli %and3A_350, %mul3A_356 : vector<16xi32>
        %add3A_358 = arith.addi %add3A_354, %mul3A_357 : vector<16xi32>
        %mul3A_359 = arith.constant 48 : i32
        %mul3A_360 = arith.muli %rem3A_333, %mul3A_359 : i32
        %add3A_361 = arith.constant 0 : i32
        %add3A_362 = arith.addi %mul3A_360, %add3A_361 : i32
        %swap3A_363 = arith.index_cast %add3A_362 : i32 to index
        %swap3A_364 = tpu.vector_load %arg4[%swap3A_363] {strides = array<i32>} : memref<192xi32, #tpu.memory_space<vmem>>, vector<16xi32>,
        tpu.vector_store %arg4[%swap3A_363], %add3A_358 {strides = array<i32>} : memref<192xi32, #tpu.memory_space<vmem>>, vector<16xi32>,
        %mul3A_365 = arith.constant 48 : i32
        %mul3A_366 = arith.muli %sub3A_327, %mul3A_365 : i32
        %add3A_367 = arith.constant 16 : i32
        %add3A_368 = arith.addi %mul3A_366, %add3A_367 : i32
        %add3A_369 = vector.broadcast %add3A_368 : i32 to vector<16xi32>
        %add3A_370 = arith.addi %iota3A, %add3A_369 : vector<16xi32>
        %shift_right_arithmetic3A_371 = arith.constant 7 : i32
        %shift_right_arithmetic3A_372 = vector.broadcast %shift_right_arithmetic3A_371 : i32 to vector<16xi32>
        %shift_right_arithmetic3A_373 = arith.shrsi %add3A_370, %shift_right_arithmetic3A_372 : vector<16xi32>
        %and3A_374 = arith.constant 127 : i32
        %and3A_375 = vector.broadcast %and3A_374 : i32 to vector<16xi32>
        %and3A_376 = arith.andi %add3A_370, %and3A_375 : vector<16xi32>
        %mul3A_377 = arith.constant 512 : i32
        %mul3A_378 = vector.broadcast %mul3A_377 : i32 to vector<16xi32>
        %mul3A_379 = arith.muli %shift_right_arithmetic3A_373, %mul3A_378 : vector<16xi32>
        %add3A_380 = arith.addi %broadcast_in_dim3A_338, %mul3A_379 : vector<16xi32>
        %mul3A_381 = arith.constant 4 : i32
        %mul3A_382 = vector.broadcast %mul3A_381 : i32 to vector<16xi32>
        %mul3A_383 = arith.muli %and3A_376, %mul3A_382 : vector<16xi32>
        %add3A_384 = arith.addi %add3A_380, %mul3A_383 : vector<16xi32>
        %mul3A_385 = arith.constant 48 : i32
        %mul3A_386 = arith.muli %rem3A_333, %mul3A_385 : i32
        %add3A_387 = arith.constant 16 : i32
        %add3A_388 = arith.addi %mul3A_386, %add3A_387 : i32
        %swap3A_389 = arith.index_cast %add3A_388 : i32 to index
        %swap3A_390 = tpu.vector_load %arg4[%swap3A_389] {strides = array<i32>} : memref<192xi32, #tpu.memory_space<vmem>>, vector<16xi32>,
        tpu.vector_store %arg4[%swap3A_389], %add3A_384 {strides = array<i32>} : memref<192xi32, #tpu.memory_space<vmem>>, vector<16xi32>,
        %mul3A_391 = arith.constant 48 : i32
        %mul3A_392 = arith.muli %sub3A_327, %mul3A_391 : i32
        %add3A_393 = arith.constant 32 : i32
        %add3A_394 = arith.addi %mul3A_392, %add3A_393 : i32
        %add3A_395 = vector.broadcast %add3A_394 : i32 to vector<16xi32>
        %add3A_396 = arith.addi %iota3A, %add3A_395 : vector<16xi32>
        %shift_right_arithmetic3A_397 = arith.constant 7 : i32
        %shift_right_arithmetic3A_398 = vector.broadcast %shift_right_arithmetic3A_397 : i32 to vector<16xi32>
        %shift_right_arithmetic3A_399 = arith.shrsi %add3A_396, %shift_right_arithmetic3A_398 : vector<16xi32>
        %and3A_400 = arith.constant 127 : i32
        %and3A_401 = vector.broadcast %and3A_400 : i32 to vector<16xi32>
        %and3A_402 = arith.andi %add3A_396, %and3A_401 : vector<16xi32>
        %mul3A_403 = arith.constant 512 : i32
        %mul3A_404 = vector.broadcast %mul3A_403 : i32 to vector<16xi32>
        %mul3A_405 = arith.muli %shift_right_arithmetic3A_399, %mul3A_404 : vector<16xi32>
        %add3A_406 = arith.addi %broadcast_in_dim3A_338, %mul3A_405 : vector<16xi32>
        %mul3A_407 = arith.constant 4 : i32
        %mul3A_408 = vector.broadcast %mul3A_407 : i32 to vector<16xi32>
        %mul3A_409 = arith.muli %and3A_402, %mul3A_408 : vector<16xi32>
        %add3A_410 = arith.addi %add3A_406, %mul3A_409 : vector<16xi32>
        %mul3A_411 = arith.constant 48 : i32
        %mul3A_412 = arith.muli %rem3A_333, %mul3A_411 : i32
        %add3A_413 = arith.constant 32 : i32
        %add3A_414 = arith.addi %mul3A_412, %add3A_413 : i32
        %swap3A_415 = arith.index_cast %add3A_414 : i32 to index
        %swap3A_416 = tpu.vector_load %arg4[%swap3A_415] {strides = array<i32>} : memref<192xi32, #tpu.memory_space<vmem>>, vector<16xi32>,
        tpu.vector_store %arg4[%swap3A_415], %add3A_410 {strides = array<i32>} : memref<192xi32, #tpu.memory_space<vmem>>, vector<16xi32>,
        %mul3A_417 = arith.constant 48 : i32
        %mul3A_418 = arith.muli %rem3A_333, %mul3A_417 : i32
        %mul3A_419 = arith.constant 48 : i32
        %mul3A_420 = arith.muli %rem3A_333, %mul3A_419 : i32
        %dma_start3A_421 = arith.constant 0 : i32
        %dma_start3A_422 = tpu.memref_slice %arg5[%mul3A_420, %dma_start3A_421] : memref<192x512xf32, #tpu.memory_space<vmem>> -> memref<48x512xf32, #tpu.memory_space<vmem>>
        %dma_start3A_423 = tpu.memref_slice %arg4[%mul3A_418] : memref<192xi32, #tpu.memory_space<vmem>> -> memref<48xi32, #tpu.memory_space<vmem>>
        %dma_start3A_424 = arith.constant 0 : i32
        %dma_start3A_425 = arith.constant 0 : i32
        %dma_start3A_426 = tpu.memref_slice %arg2[%dma_start3A_424, %dma_start3A_425] : memref<393216x512xf32, #tpu.memory_space<hbm>> -> memref<393216x512xf32, #tpu.memory_space<hbm>>
        %dma_start3A_427 = tpu.memref_slice %arg7[%rem3A_333] : memref<4x!tpu.dma_semaphore, #tpu.memory_space<semaphore_mem>> -> memref<1x!tpu.dma_semaphore, #tpu.memory_space<semaphore_mem>>
        %dma_start3A_428 = tpu.memref_squeeze %dma_start3A_427 : memref<1x!tpu.dma_semaphore, #tpu.memory_space<semaphore_mem>> -> memref<!tpu.dma_semaphore, #tpu.memory_space<semaphore_mem>>
        tpu.enqueue_indirect_dma source(%dma_start3A_426 : memref<393216x512xf32, #tpu.memory_space<hbm>>) target(%dma_start3A_422 : memref<48x512xf32, #tpu.memory_space<vmem>>) offsets(%dma_start3A_423 : memref<48xi32, #tpu.memory_space<vmem>>) semaphore(%dma_start3A_428 : memref<!tpu.dma_semaphore, #tpu.memory_space<semaphore_mem>>)
      } else {
      }
      %mul3A_290 = arith.constant 48 : i32
      %mul3A_291 = arith.muli %rem3A_284, %mul3A_290 : i32
      %mul3A_292 = arith.constant 48 : i32
      %mul3A_293 = arith.muli %rem3A_284, %mul3A_292 : i32
      %dma_wait3A_294 = arith.constant 0 : i32
      %dma_wait3A_295 = tpu.memref_slice %arg5[%mul3A_293, %dma_wait3A_294] : memref<192x512xf32, #tpu.memory_space<vmem>> -> memref<48x512xf32, #tpu.memory_space<vmem>>
      %dma_wait3A_296 = tpu.memref_slice %arg4[%mul3A_291] : memref<192xi32, #tpu.memory_space<vmem>> -> memref<48xi32, #tpu.memory_space<vmem>>
      %dma_wait3A_297 = arith.constant 0 : i32
      %dma_wait3A_298 = arith.constant 0 : i32
      %dma_wait3A_299 = tpu.memref_slice %arg2[%dma_wait3A_297, %dma_wait3A_298] : memref<393216x512xf32, #tpu.memory_space<hbm>> -> memref<393216x512xf32, #tpu.memory_space<hbm>>
      %dma_wait3A_300 = tpu.memref_slice %arg7[%rem3A_284] : memref<4x!tpu.dma_semaphore, #tpu.memory_space<semaphore_mem>> -> memref<1x!tpu.dma_semaphore, #tpu.memory_space<semaphore_mem>>
      %dma_wait3A_301 = tpu.memref_squeeze %dma_wait3A_300 : memref<1x!tpu.dma_semaphore, #tpu.memory_space<semaphore_mem>> -> memref<!tpu.dma_semaphore, #tpu.memory_space<semaphore_mem>>
      tpu.wait_indirect_dma semaphore(%dma_wait3A_301 : memref<!tpu.dma_semaphore, #tpu.memory_space<semaphore_mem>>) src(%dma_wait3A_299 : memref<393216x512xf32, #tpu.memory_space<hbm>>) dst(%dma_wait3A_295 : memref<48x512xf32, #tpu.memory_space<vmem>>)
      %ge3A = arith.constant 4 : i32
      %ge3A_302 = arith.cmpi sge, %scan3A_282, %ge3A : i32
      %convert_element_type3A_303 = arith.extui %ge3A_302 : i1 to i32
      %cond3A_304 = arith.constant 0 : i32
      %cond3A_305 = arith.cmpi ne, %convert_element_type3A_303, %cond3A_304 : i32
      scf.if %cond3A_305 {
        %sub3A_324 = arith.constant 4 : i32
        %sub3A_325 = arith.subi %scan3A_282, %sub3A_324 : i32
        %mul3A_326 = arith.constant 48 : i32
        %mul3A_327 = arith.muli %rem3A_284, %mul3A_326 : i32
        %mul3A_328 = arith.constant 48 : i32
        %mul3A_329 = arith.muli %sub3A_325, %mul3A_328 : i32
        %add3A_330 = arith.addi %mul3A_2, %mul3A_329 : i32
        %dma_wait3A_331 = arith.constant 0 : i32
        %dma_wait3A_332 = tpu.memref_slice %arg6[%mul3A_327, %dma_wait3A_331] : memref<192x128xf32, #tpu.memory_space<vmem>> -> memref<48x128xf32, #tpu.memory_space<vmem>>
        %dma_wait3A_333 = arith.constant 0 : i32
        %dma_wait3A_334 = tpu.memref_slice %arg3[%add3A_330, %dma_wait3A_333] : memref<98304x128xf32, #tpu.memory_space<hbm>> -> memref<48x128xf32, #tpu.memory_space<hbm>>
        %dma_wait3A_335 = tpu.memref_slice %arg8[%rem3A_284] : memref<4x!tpu.dma_semaphore, #tpu.memory_space<semaphore_mem>> -> memref<1x!tpu.dma_semaphore, #tpu.memory_space<semaphore_mem>>
        %dma_wait3A_336 = tpu.memref_squeeze %dma_wait3A_335 : memref<1x!tpu.dma_semaphore, #tpu.memory_space<semaphore_mem>> -> memref<!tpu.dma_semaphore, #tpu.memory_space<semaphore_mem>>
        %dma_wait3A_337 = arith.constant 0 : i32
        %dma_wait3A_338 = tpu.memref_slice %arg3[%add3A_330, %dma_wait3A_337] : memref<98304x128xf32, #tpu.memory_space<hbm>> -> memref<48x128xf32, #tpu.memory_space<hbm>>
        %dma_wait3A_339 = arith.constant 0 : i32
        %dma_wait3A_340 = tpu.memref_slice %arg6[%mul3A_327, %dma_wait3A_339] : memref<192x128xf32, #tpu.memory_space<vmem>> -> memref<48x128xf32, #tpu.memory_space<vmem>>
        tpu.wait_dma2 semaphore(%dma_wait3A_336 : memref<!tpu.dma_semaphore, #tpu.memory_space<semaphore_mem>>) src(%dma_wait3A_340 : memref<48x128xf32, #tpu.memory_space<vmem>>) dst(%dma_wait3A_338 : memref<48x128xf32, #tpu.memory_space<hbm>>)
      } else {
      }
      %parallel_loop3A = arith.constant 0 : i32
      %parallel_loop3A_306 = arith.constant 48 : i32
      %parallel_loop3A_307 = arith.constant 1 : i32
      scf.for %parallel_loop3A_324 = %parallel_loop3A to %parallel_loop3A_306 step %parallel_loop3A_307  : i32 {
        %parallel_loop3A_325 = arith.constant 48 : i32
        %parallel_loop3A_326 = arith.muli %rem3A_284, %parallel_loop3A_325 : i32
        %parallel_loop3A_327 = vector.broadcast %parallel_loop3A_326 : i32 to vector<16xi32>
        %parallel_loop3A_328 = vector.broadcast %parallel_loop3A_324 : i32 to vector<16xi32>
        %parallel_loop3A_329 = arith.addi %parallel_loop3A_327, %parallel_loop3A_328 : vector<16xi32>
        %parallel_loop3A_330 = arith.constant 4 : i32
        %parallel_loop3A_331 = vector.broadcast %parallel_loop3A_330 : i32 to vector<16xi32>
        %parallel_loop3A_332 = arith.muli %iota3A, %parallel_loop3A_331 : vector<16xi32>
        %parallel_loop3A_333 = arith.constant 0 : i32
        %parallel_loop3A_334 = vector.broadcast %parallel_loop3A_333 : i32 to vector<16xi32>
        %parallel_loop3A_335 = arith.addi %parallel_loop3A_332, %parallel_loop3A_334 : vector<16xi32>
        %parallel_loop3A_336 = tpu.vector_load_idx %arg5[%parallel_loop3A_329, %parallel_loop3A_335] : memref<192x512xf32, #tpu.memory_space<vmem>>[vector<16xi32>, vector<16xi32>], vector<16xf32>,
        %parallel_loop3A_337 = arith.constant 48 : i32
        %parallel_loop3A_338 = arith.muli %rem3A_284, %parallel_loop3A_337 : i32
        %parallel_loop3A_339 = arith.addi %parallel_loop3A_338, %parallel_loop3A_324 : i32
        %parallel_loop3A_340 = arith.index_cast %parallel_loop3A_339 : i32 to index
        %parallel_loop3A_341 = arith.constant 0 : index
        %parallel_loop3A_342 = tpu.vector_load %arg6[%parallel_loop3A_340, %parallel_loop3A_341] {strides = array<i32>} : memref<192x128xf32, #tpu.memory_space<vmem>>, vector<16xf32>,
        tpu.vector_store %arg6[%parallel_loop3A_340, %parallel_loop3A_341], %parallel_loop3A_336 {strides = array<i32>} : memref<192x128xf32, #tpu.memory_space<vmem>>, vector<16xf32>,
        %parallel_loop3A_343 = arith.constant 4 : i32
        %parallel_loop3A_344 = vector.broadcast %parallel_loop3A_343 : i32 to vector<16xi32>
        %parallel_loop3A_345 = arith.muli %iota3A, %parallel_loop3A_344 : vector<16xi32>
        %parallel_loop3A_346 = arith.constant 64 : i32
        %parallel_loop3A_347 = vector.broadcast %parallel_loop3A_346 : i32 to vector<16xi32>
        %parallel_loop3A_348 = arith.addi %parallel_loop3A_345, %parallel_loop3A_347 : vector<16xi32>
        %parallel_loop3A_349 = tpu.vector_load_idx %arg5[%parallel_loop3A_329, %parallel_loop3A_348] : memref<192x512xf32, #tpu.memory_space<vmem>>[vector<16xi32>, vector<16xi32>], vector<16xf32>,
        %parallel_loop3A_350 = arith.constant 48 : i32
        %parallel_loop3A_351 = arith.muli %rem3A_284, %parallel_loop3A_350 : i32
        %parallel_loop3A_352 = arith.addi %parallel_loop3A_351, %parallel_loop3A_324 : i32
        %parallel_loop3A_353 = arith.index_cast %parallel_loop3A_352 : i32 to index
        %parallel_loop3A_354 = arith.constant 16 : index
        %parallel_loop3A_355 = tpu.vector_load %arg6[%parallel_loop3A_353, %parallel_loop3A_354] {strides = array<i32>} : memref<192x128xf32, #tpu.memory_space<vmem>>, vector<16xf32>,
        tpu.vector_store %arg6[%parallel_loop3A_353, %parallel_loop3A_354], %parallel_loop3A_349 {strides = array<i32>} : memref<192x128xf32, #tpu.memory_space<vmem>>, vector<16xf32>,
        %parallel_loop3A_356 = arith.constant 4 : i32
        %parallel_loop3A_357 = vector.broadcast %parallel_loop3A_356 : i32 to vector<16xi32>
        %parallel_loop3A_358 = arith.muli %iota3A, %parallel_loop3A_357 : vector<16xi32>
        %parallel_loop3A_359 = arith.constant 128 : i32
        %parallel_loop3A_360 = vector.broadcast %parallel_loop3A_359 : i32 to vector<16xi32>
        %parallel_loop3A_361 = arith.addi %parallel_loop3A_358, %parallel_loop3A_360 : vector<16xi32>
        %parallel_loop3A_362 = tpu.vector_load_idx %arg5[%parallel_loop3A_329, %parallel_loop3A_361] : memref<192x512xf32, #tpu.memory_space<vmem>>[vector<16xi32>, vector<16xi32>], vector<16xf32>,
        %parallel_loop3A_363 = arith.constant 48 : i32
        %parallel_loop3A_364 = arith.muli %rem3A_284, %parallel_loop3A_363 : i32
        %parallel_loop3A_365 = arith.addi %parallel_loop3A_364, %parallel_loop3A_324 : i32
        %parallel_loop3A_366 = arith.index_cast %parallel_loop3A_365 : i32 to index
        %parallel_loop3A_367 = arith.constant 32 : index
        %parallel_loop3A_368 = tpu.vector_load %arg6[%parallel_loop3A_366, %parallel_loop3A_367] {strides = array<i32>} : memref<192x128xf32, #tpu.memory_space<vmem>>, vector<16xf32>,
        tpu.vector_store %arg6[%parallel_loop3A_366, %parallel_loop3A_367], %parallel_loop3A_362 {strides = array<i32>} : memref<192x128xf32, #tpu.memory_space<vmem>>, vector<16xf32>,
        %parallel_loop3A_369 = arith.constant 4 : i32
        %parallel_loop3A_370 = vector.broadcast %parallel_loop3A_369 : i32 to vector<16xi32>
        %parallel_loop3A_371 = arith.muli %iota3A, %parallel_loop3A_370 : vector<16xi32>
        %parallel_loop3A_372 = arith.constant 192 : i32
        %parallel_loop3A_373 = vector.broadcast %parallel_loop3A_372 : i32 to vector<16xi32>
        %parallel_loop3A_374 = arith.addi %parallel_loop3A_371, %parallel_loop3A_373 : vector<16xi32>
        %parallel_loop3A_375 = tpu.vector_load_idx %arg5[%parallel_loop3A_329, %parallel_loop3A_374] : memref<192x512xf32, #tpu.memory_space<vmem>>[vector<16xi32>, vector<16xi32>], vector<16xf32>,
        %parallel_loop3A_376 = arith.constant 48 : i32
        %parallel_loop3A_377 = arith.muli %rem3A_284, %parallel_loop3A_376 : i32
        %parallel_loop3A_378 = arith.addi %parallel_loop3A_377, %parallel_loop3A_324 : i32
        %parallel_loop3A_379 = arith.index_cast %parallel_loop3A_378 : i32 to index
        %parallel_loop3A_380 = arith.constant 48 : index
        %parallel_loop3A_381 = tpu.vector_load %arg6[%parallel_loop3A_379, %parallel_loop3A_380] {strides = array<i32>} : memref<192x128xf32, #tpu.memory_space<vmem>>, vector<16xf32>,
        tpu.vector_store %arg6[%parallel_loop3A_379, %parallel_loop3A_380], %parallel_loop3A_375 {strides = array<i32>} : memref<192x128xf32, #tpu.memory_space<vmem>>, vector<16xf32>,
        %parallel_loop3A_382 = arith.constant 4 : i32
        %parallel_loop3A_383 = vector.broadcast %parallel_loop3A_382 : i32 to vector<16xi32>
        %parallel_loop3A_384 = arith.muli %iota3A, %parallel_loop3A_383 : vector<16xi32>
        %parallel_loop3A_385 = arith.constant 256 : i32
        %parallel_loop3A_386 = vector.broadcast %parallel_loop3A_385 : i32 to vector<16xi32>
        %parallel_loop3A_387 = arith.addi %parallel_loop3A_384, %parallel_loop3A_386 : vector<16xi32>
        %parallel_loop3A_388 = tpu.vector_load_idx %arg5[%parallel_loop3A_329, %parallel_loop3A_387] : memref<192x512xf32, #tpu.memory_space<vmem>>[vector<16xi32>, vector<16xi32>], vector<16xf32>,
        %parallel_loop3A_389 = arith.constant 48 : i32
        %parallel_loop3A_390 = arith.muli %rem3A_284, %parallel_loop3A_389 : i32
        %parallel_loop3A_391 = arith.addi %parallel_loop3A_390, %parallel_loop3A_324 : i32
        %parallel_loop3A_392 = arith.index_cast %parallel_loop3A_391 : i32 to index
        %parallel_loop3A_393 = arith.constant 64 : index
        %parallel_loop3A_394 = tpu.vector_load %arg6[%parallel_loop3A_392, %parallel_loop3A_393] {strides = array<i32>} : memref<192x128xf32, #tpu.memory_space<vmem>>, vector<16xf32>,
        tpu.vector_store %arg6[%parallel_loop3A_392, %parallel_loop3A_393], %parallel_loop3A_388 {strides = array<i32>} : memref<192x128xf32, #tpu.memory_space<vmem>>, vector<16xf32>,
        %parallel_loop3A_395 = arith.constant 4 : i32
        %parallel_loop3A_396 = vector.broadcast %parallel_loop3A_395 : i32 to vector<16xi32>
        %parallel_loop3A_397 = arith.muli %iota3A, %parallel_loop3A_396 : vector<16xi32>
        %parallel_loop3A_398 = arith.constant 320 : i32
        %parallel_loop3A_399 = vector.broadcast %parallel_loop3A_398 : i32 to vector<16xi32>
        %parallel_loop3A_400 = arith.addi %parallel_loop3A_397, %parallel_loop3A_399 : vector<16xi32>
        %parallel_loop3A_401 = tpu.vector_load_idx %arg5[%parallel_loop3A_329, %parallel_loop3A_400] : memref<192x512xf32, #tpu.memory_space<vmem>>[vector<16xi32>, vector<16xi32>], vector<16xf32>,
        %parallel_loop3A_402 = arith.constant 48 : i32
        %parallel_loop3A_403 = arith.muli %rem3A_284, %parallel_loop3A_402 : i32
        %parallel_loop3A_404 = arith.addi %parallel_loop3A_403, %parallel_loop3A_324 : i32
        %parallel_loop3A_405 = arith.index_cast %parallel_loop3A_404 : i32 to index
        %parallel_loop3A_406 = arith.constant 80 : index
        %parallel_loop3A_407 = tpu.vector_load %arg6[%parallel_loop3A_405, %parallel_loop3A_406] {strides = array<i32>} : memref<192x128xf32, #tpu.memory_space<vmem>>, vector<16xf32>,
        tpu.vector_store %arg6[%parallel_loop3A_405, %parallel_loop3A_406], %parallel_loop3A_401 {strides = array<i32>} : memref<192x128xf32, #tpu.memory_space<vmem>>, vector<16xf32>,
        %parallel_loop3A_408 = arith.constant 4 : i32
        %parallel_loop3A_409 = vector.broadcast %parallel_loop3A_408 : i32 to vector<16xi32>
        %parallel_loop3A_410 = arith.muli %iota3A, %parallel_loop3A_409 : vector<16xi32>
        %parallel_loop3A_411 = arith.constant 384 : i32
        %parallel_loop3A_412 = vector.broadcast %parallel_loop3A_411 : i32 to vector<16xi32>
        %parallel_loop3A_413 = arith.addi %parallel_loop3A_410, %parallel_loop3A_412 : vector<16xi32>
        %parallel_loop3A_414 = tpu.vector_load_idx %arg5[%parallel_loop3A_329, %parallel_loop3A_413] : memref<192x512xf32, #tpu.memory_space<vmem>>[vector<16xi32>, vector<16xi32>], vector<16xf32>,
        %parallel_loop3A_415 = arith.constant 48 : i32
        %parallel_loop3A_416 = arith.muli %rem3A_284, %parallel_loop3A_415 : i32
        %parallel_loop3A_417 = arith.addi %parallel_loop3A_416, %parallel_loop3A_324 : i32
        %parallel_loop3A_418 = arith.index_cast %parallel_loop3A_417 : i32 to index
        %parallel_loop3A_419 = arith.constant 96 : index
        %parallel_loop3A_420 = tpu.vector_load %arg6[%parallel_loop3A_418, %parallel_loop3A_419] {strides = array<i32>} : memref<192x128xf32, #tpu.memory_space<vmem>>, vector<16xf32>,
        tpu.vector_store %arg6[%parallel_loop3A_418, %parallel_loop3A_419], %parallel_loop3A_414 {strides = array<i32>} : memref<192x128xf32, #tpu.memory_space<vmem>>, vector<16xf32>,
        %parallel_loop3A_421 = arith.constant 4 : i32
        %parallel_loop3A_422 = vector.broadcast %parallel_loop3A_421 : i32 to vector<16xi32>
        %parallel_loop3A_423 = arith.muli %iota3A, %parallel_loop3A_422 : vector<16xi32>
        %parallel_loop3A_424 = arith.constant 448 : i32
        %parallel_loop3A_425 = vector.broadcast %parallel_loop3A_424 : i32 to vector<16xi32>
        %parallel_loop3A_426 = arith.addi %parallel_loop3A_423, %parallel_loop3A_425 : vector<16xi32>
        %parallel_loop3A_427 = tpu.vector_load_idx %arg5[%parallel_loop3A_329, %parallel_loop3A_426] : memref<192x512xf32, #tpu.memory_space<vmem>>[vector<16xi32>, vector<16xi32>], vector<16xf32>,
        %parallel_loop3A_428 = arith.constant 48 : i32
        %parallel_loop3A_429 = arith.muli %rem3A_284, %parallel_loop3A_428 : i32
        %parallel_loop3A_430 = arith.addi %parallel_loop3A_429, %parallel_loop3A_324 : i32
        %parallel_loop3A_431 = arith.index_cast %parallel_loop3A_430 : i32 to index
        %parallel_loop3A_432 = arith.constant 112 : index
        %parallel_loop3A_433 = tpu.vector_load %arg6[%parallel_loop3A_431, %parallel_loop3A_432] {strides = array<i32>} : memref<192x128xf32, #tpu.memory_space<vmem>>, vector<16xf32>,
        tpu.vector_store %arg6[%parallel_loop3A_431, %parallel_loop3A_432], %parallel_loop3A_427 {strides = array<i32>} : memref<192x128xf32, #tpu.memory_space<vmem>>, vector<16xf32>,
      } {sc.loop_unroll_factor = 4 : i64, sc.parallel_access}
      %mul3A_308 = arith.constant 48 : i32
      %mul3A_309 = arith.muli %rem3A_284, %mul3A_308 : i32
      %mul3A_310 = arith.constant 48 : i32
      %mul3A_311 = arith.muli %scan3A_282, %mul3A_310 : i32
      %add3A_312 = arith.addi %mul3A_2, %mul3A_311 : i32
      %dma_start3A_313 = arith.constant 0 : i32
      %dma_start3A_314 = tpu.memref_slice %arg6[%mul3A_309, %dma_start3A_313] : memref<192x128xf32, #tpu.memory_space<vmem>> -> memref<48x128xf32, #tpu.memory_space<vmem>>
      %dma_start3A_315 = arith.constant 0 : i32
      %dma_start3A_316 = tpu.memref_slice %arg3[%add3A_312, %dma_start3A_315] : memref<98304x128xf32, #tpu.memory_space<hbm>> -> memref<48x128xf32, #tpu.memory_space<hbm>>
      %dma_start3A_317 = tpu.memref_slice %arg8[%rem3A_284] : memref<4x!tpu.dma_semaphore, #tpu.memory_space<semaphore_mem>> -> memref<1x!tpu.dma_semaphore, #tpu.memory_space<semaphore_mem>>
      %dma_start3A_318 = tpu.memref_squeeze %dma_start3A_317 : memref<1x!tpu.dma_semaphore, #tpu.memory_space<semaphore_mem>> -> memref<!tpu.dma_semaphore, #tpu.memory_space<semaphore_mem>>
      %dma_start3A_319 = arith.constant 0 : i32
      %dma_start3A_320 = tpu.memref_slice %arg3[%add3A_312, %dma_start3A_319] : memref<98304x128xf32, #tpu.memory_space<hbm>> -> memref<48x128xf32, #tpu.memory_space<hbm>>
      %dma_start3A_321 = arith.constant 0 : i32
      %dma_start3A_322 = tpu.memref_slice %arg6[%mul3A_309, %dma_start3A_321] : memref<192x128xf32, #tpu.memory_space<vmem>> -> memref<48x128xf32, #tpu.memory_space<vmem>>
      tpu.enqueue_dma source(%dma_start3A_322 : memref<48x128xf32, #tpu.memory_space<vmem>>) target(%dma_start3A_320 : memref<48x128xf32, #tpu.memory_space<hbm>>) target_semaphore(%dma_start3A_318 : memref<!tpu.dma_semaphore, #tpu.memory_space<semaphore_mem>>)
      %scan3A_323 = arith.constant 0 : i32
      scf.yield %scan3A_323 : i32
    }
    %scan3A_222 = arith.constant 64 : i32
    %add3A_223 = arith.constant 2880 : i32
    %add3A_224 = arith.addi %mul3A_2, %add3A_223 : i32
    %dma_wait3A = arith.constant 0 : i32
    %dma_wait3A_225 = arith.constant 0 : i32
    %dma_wait3A_226 = arith.constant 0 : i32
    %dma_wait3A_227 = tpu.memref_slice %arg6[%dma_wait3A_225, %dma_wait3A_226] : memref<192x128xf32, #tpu.memory_space<vmem>> -> memref<48x128xf32, #tpu.memory_space<vmem>>
    %dma_wait3A_228 = arith.constant 0 : i32
    %dma_wait3A_229 = tpu.memref_slice %arg3[%add3A_224, %dma_wait3A_228] : memref<98304x128xf32, #tpu.memory_space<hbm>> -> memref<48x128xf32, #tpu.memory_space<hbm>>
    %dma_wait3A_230 = tpu.memref_slice %arg8[%dma_wait3A] : memref<4x!tpu.dma_semaphore, #tpu.memory_space<semaphore_mem>> -> memref<1x!tpu.dma_semaphore, #tpu.memory_space<semaphore_mem>>
    %dma_wait3A_231 = tpu.memref_squeeze %dma_wait3A_230 : memref<1x!tpu.dma_semaphore, #tpu.memory_space<semaphore_mem>> -> memref<!tpu.dma_semaphore, #tpu.memory_space<semaphore_mem>>
    %dma_wait3A_232 = arith.constant 0 : i32
    %dma_wait3A_233 = tpu.memref_slice %arg3[%add3A_224, %dma_wait3A_232] : memref<98304x128xf32, #tpu.memory_space<hbm>> -> memref<48x128xf32, #tpu.memory_space<hbm>>
    %dma_wait3A_234 = arith.constant 0 : i32
    %dma_wait3A_235 = arith.constant 0 : i32
    %dma_wait3A_236 = tpu.memref_slice %arg6[%dma_wait3A_234, %dma_wait3A_235] : memref<192x128xf32, #tpu.memory_space<vmem>> -> memref<48x128xf32, #tpu.memory_space<vmem>>
    tpu.wait_dma2 semaphore(%dma_wait3A_231 : memref<!tpu.dma_semaphore, #tpu.memory_space<semaphore_mem>>) src(%dma_wait3A_236 : memref<48x128xf32, #tpu.memory_space<vmem>>) dst(%dma_wait3A_233 : memref<48x128xf32, #tpu.memory_space<hbm>>)
    %add3A_237 = arith.constant 2928 : i32
    %add3A_238 = arith.addi %mul3A_2, %add3A_237 : i32
    %dma_wait3A_239 = arith.constant 1 : i32
    %dma_wait3A_240 = arith.constant 48 : i32
    %dma_wait3A_241 = arith.constant 0 : i32
    %dma_wait3A_242 = tpu.memref_slice %arg6[%dma_wait3A_240, %dma_wait3A_241] : memref<192x128xf32, #tpu.memory_space<vmem>> -> memref<48x128xf32, #tpu.memory_space<vmem>>
    %dma_wait3A_243 = arith.constant 0 : i32
    %dma_wait3A_244 = tpu.memref_slice %arg3[%add3A_238, %dma_wait3A_243] : memref<98304x128xf32, #tpu.memory_space<hbm>> -> memref<48x128xf32, #tpu.memory_space<hbm>>
    %dma_wait3A_245 = tpu.memref_slice %arg8[%dma_wait3A_239] : memref<4x!tpu.dma_semaphore, #tpu.memory_space<semaphore_mem>> -> memref<1x!tpu.dma_semaphore, #tpu.memory_space<semaphore_mem>>
    %dma_wait3A_246 = tpu.memref_squeeze %dma_wait3A_245 : memref<1x!tpu.dma_semaphore, #tpu.memory_space<semaphore_mem>> -> memref<!tpu.dma_semaphore, #tpu.memory_space<semaphore_mem>>
    %dma_wait3A_247 = arith.constant 0 : i32
    %dma_wait3A_248 = tpu.memref_slice %arg3[%add3A_238, %dma_wait3A_247] : memref<98304x128xf32, #tpu.memory_space<hbm>> -> memref<48x128xf32, #tpu.memory_space<hbm>>
    %dma_wait3A_249 = arith.constant 48 : i32
    %dma_wait3A_250 = arith.constant 0 : i32
    %dma_wait3A_251 = tpu.memref_slice %arg6[%dma_wait3A_249, %dma_wait3A_250] : memref<192x128xf32, #tpu.memory_space<vmem>> -> memref<48x128xf32, #tpu.memory_space<vmem>>
    tpu.wait_dma2 semaphore(%dma_wait3A_246 : memref<!tpu.dma_semaphore, #tpu.memory_space<semaphore_mem>>) src(%dma_wait3A_251 : memref<48x128xf32, #tpu.memory_space<vmem>>) dst(%dma_wait3A_248 : memref<48x128xf32, #tpu.memory_space<hbm>>)
    %add3A_252 = arith.constant 2976 : i32
    %add3A_253 = arith.addi %mul3A_2, %add3A_252 : i32
    %dma_wait3A_254 = arith.constant 2 : i32
    %dma_wait3A_255 = arith.constant 96 : i32
    %dma_wait3A_256 = arith.constant 0 : i32
    %dma_wait3A_257 = tpu.memref_slice %arg6[%dma_wait3A_255, %dma_wait3A_256] : memref<192x128xf32, #tpu.memory_space<vmem>> -> memref<48x128xf32, #tpu.memory_space<vmem>>
    %dma_wait3A_258 = arith.constant 0 : i32
    %dma_wait3A_259 = tpu.memref_slice %arg3[%add3A_253, %dma_wait3A_258] : memref<98304x128xf32, #tpu.memory_space<hbm>> -> memref<48x128xf32, #tpu.memory_space<hbm>>
    %dma_wait3A_260 = tpu.memref_slice %arg8[%dma_wait3A_254] : memref<4x!tpu.dma_semaphore, #tpu.memory_space<semaphore_mem>> -> memref<1x!tpu.dma_semaphore, #tpu.memory_space<semaphore_mem>>
    %dma_wait3A_261 = tpu.memref_squeeze %dma_wait3A_260 : memref<1x!tpu.dma_semaphore, #tpu.memory_space<semaphore_mem>> -> memref<!tpu.dma_semaphore, #tpu.memory_space<semaphore_mem>>
    %dma_wait3A_262 = arith.constant 0 : i32
    %dma_wait3A_263 = tpu.memref_slice %arg3[%add3A_253, %dma_wait3A_262] : memref<98304x128xf32, #tpu.memory_space<hbm>> -> memref<48x128xf32, #tpu.memory_space<hbm>>
    %dma_wait3A_264 = arith.constant 96 : i32
    %dma_wait3A_265 = arith.constant 0 : i32
    %dma_wait3A_266 = tpu.memref_slice %arg6[%dma_wait3A_264, %dma_wait3A_265] : memref<192x128xf32, #tpu.memory_space<vmem>> -> memref<48x128xf32, #tpu.memory_space<vmem>>
    tpu.wait_dma2 semaphore(%dma_wait3A_261 : memref<!tpu.dma_semaphore, #tpu.memory_space<semaphore_mem>>) src(%dma_wait3A_266 : memref<48x128xf32, #tpu.memory_space<vmem>>) dst(%dma_wait3A_263 : memref<48x128xf32, #tpu.memory_space<hbm>>)
    %add3A_267 = arith.constant 3024 : i32
    %add3A_268 = arith.addi %mul3A_2, %add3A_267 : i32
    %dma_wait3A_269 = arith.constant 3 : i32
    %dma_wait3A_270 = arith.constant 144 : i32
    %dma_wait3A_271 = arith.constant 0 : i32
    %dma_wait3A_272 = tpu.memref_slice %arg6[%dma_wait3A_270, %dma_wait3A_271] : memref<192x128xf32, #tpu.memory_space<vmem>> -> memref<48x128xf32, #tpu.memory_space<vmem>>
    %dma_wait3A_273 = arith.constant 0 : i32
    %dma_wait3A_274 = tpu.memref_slice %arg3[%add3A_268, %dma_wait3A_273] : memref<98304x128xf32, #tpu.memory_space<hbm>> -> memref<48x128xf32, #tpu.memory_space<hbm>>
    %dma_wait3A_275 = tpu.memref_slice %arg8[%dma_wait3A_269] : memref<4x!tpu.dma_semaphore, #tpu.memory_space<semaphore_mem>> -> memref<1x!tpu.dma_semaphore, #tpu.memory_space<semaphore_mem>>
    %dma_wait3A_276 = tpu.memref_squeeze %dma_wait3A_275 : memref<1x!tpu.dma_semaphore, #tpu.memory_space<semaphore_mem>> -> memref<!tpu.dma_semaphore, #tpu.memory_space<semaphore_mem>>
    %dma_wait3A_277 = arith.constant 0 : i32
    %dma_wait3A_278 = tpu.memref_slice %arg3[%add3A_268, %dma_wait3A_277] : memref<98304x128xf32, #tpu.memory_space<hbm>> -> memref<48x128xf32, #tpu.memory_space<hbm>>
    %dma_wait3A_279 = arith.constant 144 : i32
    %dma_wait3A_280 = arith.constant 0 : i32
    %dma_wait3A_281 = tpu.memref_slice %arg6[%dma_wait3A_279, %dma_wait3A_280] : memref<192x128xf32, #tpu.memory_space<vmem>> -> memref<48x128xf32, #tpu.memory_space<vmem>>
    tpu.wait_dma2 semaphore(%dma_wait3A_276 : memref<!tpu.dma_semaphore, #tpu.memory_space<semaphore_mem>>) src(%dma_wait3A_281 : memref<48x128xf32, #tpu.memory_space<vmem>>) dst(%dma_wait3A_278 : memref<48x128xf32, #tpu.memory_space<hbm>>)
    return
  }
}

</mosaic_0001>

<sc_bundles>
// kernel: kernel.3.cloned.1.call-start
scs
__scs_entry_jumppad:
0x0: {  	(pc) =	sbr.rel $0x88, $3  }
0x1: {  	(tag) =	ssettag $0x0;
	lr =	simm.s32 $0x1  }
0x2: {  	[smem:$0x3FA0] =	sst lr;
	_ =	strace $0xD0000000  }
0x3: {  	_ = 	snop  }
0x4: {  	_ = 	snop  }
0x5: {  	_ = 	snop  }
0x6: {  	_ = 	snop  }
0x7: {  	_ = 	snop  }
__scs_overlays_trampoline_lowered:
0x8: {  	[smem:$0x3FAF] =	sst s0  }
0x9: {  	[smem:$0x3FB0] =	sst s1  }
0xa: {  	[smem:$0x3FB1] =	sst s2  }
0xb: {  	[smem:$0x3FB2] =	sst s3  }
0xc: {  	[smem:$0x3FB3] =	sst s4  }
0xd: {  	[smem:$0x3FB4] =	sst s5  }
0xe: {  	[smem:$0x3FB5] =	sst s6  }
0xf: {  	[smem:$0x3FB6] =	sst s7  }
0x10: {  	[smem:$0x3FB7] =	sst s8  }
0x11: {  	[smem:$0x3FB8] =	sst s9;
	s0 =	simm.s32 @!p0 $0x0  }
0x12: {  	s1 =	sld [smem:$0x3F9E];
	s0 =	simm.s32 @p0 $0x1  }
0x13: {  	[smem:$0x3FB9] =	sst s0;
	s0 =	simm.s32 @!p1 $0x0  }
0x14: {  	s2 =	sld [smem:$0x3F9D];
	s0 =	simm.s32 @p1 $0x1  }
0x15: {  	[smem:$0x3FBA] =	sst s0;
	s0 =	simm.s32 @!p2 $0x0  }
0x16: {  	s3 =	sld [smem:$0x3FDB];
	s0 =	simm.s32 @p2 $0x1  }
0x17: {  	s4 =	simm.s32 $0x1BF5;
	[smem:$0x3FBC] =	sst s0  }
0x18: {  	s0 =	sld [smem:$0x3F9F];
	_ =	swait.ge [sflag:s4], $0x0  }
0x19: {  	s7 =	sld [smem:$0x3FA0]  }
0x1a: {  	s8 =	sadd.s32 $0xFFFFE003, lr  }
0x1b: {  	s9 =	sadd.s32 $0xFFFFFEF7, lr;
	s5 =	simm.s32 $0xFFFFFFFF;
	p2 =	slt.u32 s8, $0xFFFFF086  }
0x1c: {  	p1 =	slt.u32 s9, $0xF7A;
	s5 =	simm.s32 @!p2 $0x0  }
0x1d: {  	s5 =	simm.s32 @p1 $0x1;
	p0 =	seq.s32 s7, s2  }
0x1e: {  	s7 =	smul.u32 @!p0 $0xF7A, s2;
	p2 =	seq.s32 @!p0 s5, $0x0  }
0x1f: {  	s9 =	smul.u32 $0xF7A, s1;
	s8 =	simm.s32 @!p0 $0x1BF5;
	p2 =	por !p2, p0  }
0x20: {  	[sflag:s8] =	ssyncset.s32 @!p0 $0xFFFFF086;
	s6 =	sadd.s32 @!p0 s3, s7;
	s7 =	simm.s32 @!p0 $0x108  }
0x21: {  	s3 =	sadd.s32 s3, s9;
	s6 =	sadd.s32 @!p0 $0x88, s6;
	s7 =	simm.s32 @p2 $0x1082  }
0x22: {  	[simem:s7], [sflag:s8] =	dma.local @!p0 [hbm:s6], $0xF7A  }
0x23: {  	s9 =	sor.u32 $0xD0000000, s2;
	s6 =	simm.s32 $0x108;
	_ =	swait.ge @!p0 [sflag:s8], $0x0  }
0x24: {  	s3 =	sadd.s32 $0x88, s3;
	s6 =	simm.s32 @!p1 $0x1082;
	[sflag:s4] =	ssyncset.s32 $0xFFFFF086  }
0x25: {  	[simem:s6], [sflag:s4] =	dma.local [hbm:s3], $0xF7A  }
0x26: {  	[smem:$0x3FA0] =	sst s1;
	(tag) =	ssettag s2;
	_ =	strace s9  }
0x27: {  	s1 =	sld [smem:$0x3FB0]  }
0x28: {  	s2 =	sld [smem:$0x3FB1]  }
0x29: {  	s4 =	sld [smem:$0x3FB3]  }
0x2a: {  	p0 =	seq.s32 s5, $0x0;
	s5 =	sld [smem:$0x3FB4]  }
0x2b: {  	s6 =	sld [smem:$0x3FB5]  }
0x2c: {  	s7 =	sld [smem:$0x3FB6]  }
0x2d: {  	s3 =	simm.s32 $0x108;
	s8 =	sld [smem:$0x3FB7]  }
0x2e: {  	s3 =	simm.s32 @!p0 $0x1082;
	s9 =	sld [smem:$0x3FB8]  }
0x2f: {  	lr =	sadd.s32 s0, s3;
	s0 =	sld [smem:$0x3FAF]  }
0x30: {  	s3 =	sld [smem:$0x3FB2]  }
0x31: {  	[smem:$0x3FBB] =	sst s10  }
0x32: {  	s10 =	sld [smem:$0x3FB9];
	_ =	sdelay $0x3  }
0x33: {  	p0 =	seq.s32 s10, $0x1;
	s10 =	sld [smem:$0x3FBB];
	_ =	sdelay $0x3  }
0x34: {  	[smem:$0x3FBB] =	sst s10  }
0x35: {  	s10 =	sld [smem:$0x3FBA];
	_ =	sdelay $0x3  }
0x36: {  	p1 =	seq.s32 s10, $0x1;
	s10 =	sld [smem:$0x3FBB];
	_ =	sdelay $0x3  }
0x37: {  	[smem:$0x3FBB] =	sst s10  }
0x38: {  	s10 =	sld [smem:$0x3FBC]  }
0x39: {  	_ = 	snop;
	(pc) =	sbr.ind lr, $3  }
0x3a: {  	_ = 	snop  }
0x3b: {  	_ = 	snop  }
0x3c: {  	p2 =	seq.s32 s10, $0x1;
	s10 =	sld [smem:$0x3FBB]  }
0x3d: {  	_ =	shalt  }
0x3e: {  	_ =	shalt  }
0x3f: {  	_ =	shalt  }
0x40: {  	_ =	shalt  }
0x41: {  	_ =	shalt  }
0x42: {  	_ =	shalt  }
0x43: {  	_ =	shalt  }
0x44: {  	_ =	shalt  }
0x45: {  	_ =	shalt  }
0x46: {  	_ =	shalt  }
0x47: {  	_ =	shalt  }
0x48: {  	_ =	shalt  }
0x49: {  	_ =	shalt  }
0x4a: {  	_ =	shalt  }
0x4b: {  	_ =	shalt  }
0x4c: {  	_ =	shalt  }
0x4d: {  	_ =	shalt  }
0x4e: {  	_ =	shalt  }
0x4f: {  	_ =	shalt  }
0x50: {  	_ =	shalt  }
0x51: {  	_ =	shalt  }
0x52: {  	_ =	shalt  }
0x53: {  	_ =	shalt  }
0x54: {  	_ =	shalt  }
0x55: {  	_ =	shalt  }
0x56: {  	_ =	shalt  }
0x57: {  	_ =	shalt  }
0x58: {  	_ =	shalt  }
0x59: {  	_ =	shalt  }
0x5a: {  	_ =	shalt  }
0x5b: {  	_ =	shalt  }
0x5c: {  	_ =	shalt  }
0x5d: {  	_ =	shalt  }
0x5e: {  	_ =	shalt  }
0x5f: {  	_ =	shalt  }
0x60: {  	_ =	shalt  }
0x61: {  	_ =	shalt  }
0x62: {  	_ =	shalt  }
0x63: {  	_ =	shalt  }
0x64: {  	_ =	shalt  }
0x65: {  	_ =	shalt  }
0x66: {  	_ =	shalt  }
0x67: {  	_ =	shalt  }
0x68: {  	_ =	shalt  }
0x69: {  	_ =	shalt  }
0x6a: {  	_ =	shalt  }
0x6b: {  	_ =	shalt  }
0x6c: {  	_ =	shalt  }
0x6d: {  	_ =	shalt  }
0x6e: {  	_ =	shalt  }
0x6f: {  	_ =	shalt  }
0x70: {  	_ =	shalt  }
0x71: {  	_ =	shalt  }
0x72: {  	_ =	shalt  }
0x73: {  	_ =	shalt  }
0x74: {  	_ =	shalt  }
0x75: {  	_ =	shalt  }
0x76: {  	_ =	shalt  }
0x77: {  	_ =	shalt  }
0x78: {  	_ =	shalt  }
0x79: {  	_ =	shalt  }
0x7a: {  	_ =	shalt  }
0x7b: {  	_ =	shalt  }
0x7c: {  	_ =	shalt  }
0x7d: {  	_ =	shalt  }
0x7e: {  	_ =	shalt  }
0x7f: {  	_ =	shalt  }
0x80: {  	_ =	shalt  }
0x81: {  	_ =	shalt  }
0x82: {  	_ =	shalt  }
0x83: {  	_ =	shalt  }
0x84: {  	_ =	shalt  }
0x85: {  	_ =	shalt  }
0x86: {  	_ =	shalt  }
0x87: {  	_ =	shalt  }
.Lfunc_end0:
.L_simem_size_0:
called_computation_lowered:
.L_overlay_start_0:
0x88: {  	s2 =	sld [smem:$0x3FD9]  }
0x89: {  	s3 =	sld [smem:$0x3FFE];
	_ =	sdelay $0x1  }
0x8a: {  	s1 =	srdreg.scid  }
0x8b: {  	s0 =	sand.u32 $0x1, s1  }
0x8c: {  	s18 =	sshll.u32 s0, $0xA;
	s2 =	sadd.s32 s3, s2  }
0x8d: {  	s2 =	sadd.s32 s2, s18  }
0x8e: {  	[smem:$0x3FC7] =	sst s2  }
0x8f: {  	_ = 	snop  }
0x90: {  	s2 =	sld [smem:$0x3FC9]  }
0x91: {  	s19 =	sld [smem:$0x3FD0];
	(tm) =	ssettm $0x1  }
0x92: {  	s4 =	sld [smem:$0x3FFB];
	_ =	sdelay $0x3  }
0x93: {  	_ =	strace s4  }
0x94: {  	s4 =	sld [smem:$0x3FFC];
	_ =	sdelay $0x3  }
0x95: {  	_ =	strace s4  }
0x96: {  	s4 =	sld [smem:$0x3FFD];
	_ =	sdelay $0x3  }
0x97: {  	_ =	strace s4  }
0x98: {  	_ =	strace $0x8FFFFFFF  }
0x99: {  	s20 =	sld [smem:$0x3FDB];
	_ =	sdelay $0x1  }
0x9a: {  	s5 =	simm.s32 $_scs_section_size  }
0x9b: {  	s6 =	simm.s32 $_size__tile_overlayer_lowered;
	s7 =	simm.s32 $_tile_overlayer_lowered  }
0x9c: {  	s23 =	simm.s32 $0x1BFF;
	s22 =	sshll.u32 s7, $0x1;
	s4 =	sadd.s32 s5, s20  }
0x9d: {  	s8 =	simm.s32 $0x0;
	s21 =	sshll.u32 s6, $0x1;
	s6 =	sadd.s32 s22, s4  }
0x9e: {  	[timem:s8], [sflag:s23] =	dma.local [hbm:s6], s21  }
0x9f: {  	_ =	swait.ge [sflag:s23], s21  }
0xa0: {  	s5 =	ssub.s32 $0x0, s21;
	[sflag:s23] =	ssyncset.done $0x0  }
0xa1: {  	[sflag:s23] =	ssyncadd.s32 s5;
	_ =	sdelay $0x1  }
0xa2: {  	s24 =	simm.s32 $0x1B8B  }
0xa3: {  	_ =	swait.ge [sflag:s24], $0x1  }
0xa4: {  	[sflag:s24] =	ssyncset.done $0x0  }
0xa5: {  	s25 =	simm.s32 $0x1B8E;
	[sflag:s24] =	ssyncadd.s32 $0xFFFFFFFF  }
0xa6: {  	s26 =	simm.s32 $execute0_lowered;
	[smem:$0x3FD2] =	sst s25  }
0xa7: {  	s5 =	sshll.u32 s26, $0x1;
	_ =	strace $0x80000046;
	[dreg:$0x1] =	wrdreg $0xFFFFFFFF  }
0xa8: {  	s28 =	simm.s32 $_size_execute0_lowered;
	s4 =	sadd.s32 s4, s5;
	[dreg:$0x0] =	wrdreg $0x0  }
0xa9: {  	s5 =	sshll.u32 s28, $0x1;
	[dreg:$0x2] =	wrdreg s4  }
0xaa: {  	[dreg:$0x3] =	wrdreg s5  }
0xab: {  	[dreg:$0x4] =	wrdreg $0xC0  }
0xac: {  	_ =	task [dreg:s8], $0x5FFFF  }
0xad: {  	[dreg:$0x1] =	wrdreg $0xFFFFFFFF  }
0xae: {  	[dreg:$0x0] =	wrdreg $0x60  }
0xaf: {  	[dreg:$0x2] =	wrdreg s2  }
0xb0: {  	[dreg:$0x3] =	wrdreg s19  }
0xb1: {  	[dreg:$0x4] =	wrdreg $0x9  }
0xb2: {  	_ =	task.clear_ibuf [dreg:s8], $0x5FFFF;
	_ =	strace $0x90000046  }
0xb3: {  	s29 =	simm.s32 $0x9;
	_ =	strace $0x80000048  }
0xb4: {  	_ =	swait.ge [sflag:s29], $0x1  }
0xb5: {  	[sflag:s29] =	ssyncadd.s32 $0xFFFFFFFF  }
0xb6: {  	_ =	strace $0x90000048  }
0xb7: {  	_ =	sfence  }
0xb8: {  	s30 =	sld [smem:$0x0];
	_ =	sdelay $0x2  }
0xb9: {  	s31 =	sshll.u32 s1, $0xD;
	s1 =	sshrl.u32 s1, $0x2  }
0xba: {  	s3 =	sand.u32 $0x4000, s31;
	s1 =	sadd.s32 s1, s30  }
0xbb: {  	s0 =	sor.u32 s3, s0;
	s1 =	sshll.u32 s1, $0x11  }
0xbc: {  	s0 =	sor.u32 s1, s0  }
0xbd: {  	s0 =	sadd.s32 $0x8F2B, s0  }
0xbe: {  	[sflag:s0] =	ssyncadd.remote.s32 $0x1  }
0xbf: {  	_ =	sfence.sel $0xFFFF  }
0xc0: {  	[dreg:$0x0] =	wrdreg $0xFFFFFFFF;
	(pc) =	sbr.abs _section_cstart, $3  }
0xc1: {  	[dreg:$0x1] =	wrdreg $0xFFFFFFFF  }
0xc2: {  	_ =	task.clear_ibuf [dreg:s8], $0x2FFFF;
	_ =	strace $0x9FFFFFFF  }
0xc3: {  	(tm) =	ssettm $0x7FFFFFFF  }
tec
execute0_lowered:
.L_overlay_start_1:
0x0: {  	(tag) =	ssettag $0x1  }
0x1: {  	v9 =	vlaneseq.u32  }
0x2: {  	v0 =	vmul.u32 $0x4, v9;
	v4 =	vand.u32 $0x1, v9  }
0x3: {  	s0 =	srdreg.scid;
	s1 =	stileid.u32;
	vm0 =	vmmov $0xffff;
	v8 =	vshrl.u32 v9, $0x3;
	v15 =	vmul.u32 $0x4, v4  }
0x4: {  	s0 =	sand.u32 $0x1, s0;
	s1 =	sshll.u32 s1, $0x1;
	v8 =	vmul.u32 $0x8, v8;
	v3 =	vor.u32 $0x40, v0;
	v5 =	vor.u32 $0x80, v0  }
0x5: {  	s1 =	sor.u32 s0, s1;
	v7 =	vor.u32 $0xC0, v0;
	v10 =	vor.u32 $0x100, v0;
	v12 =	vor.u32 $0x140, v0  }
0x6: {  	s9 =	smul.u32 $0x3000, s1;
	v13 =	vor.u32 $0x1C0, v0;
	v14 =	vor.u32 $0x200, v0;
	v23 =	vor.u32 $0x800, v0  }
0x7: {  	v24 =	vor.u32 $0x840, v0;
	v25 =	vor.u32 $0xC00, v0;
	v26 =	vor.u32 $0xC40, v0  }
0x8: {  	v1 =	vmov s9;
	v2 =	vor.u32 s9, v0;
	v4 =	vor.u32 s9, v3  }
0x9: {  	v5 =	vor.u32 s9, v5;
	v7 =	vor.u32 s9, v7;
	v6 =	vshll.u32 v2, $0x2  }
0xa: {  	v10 =	vor.u32 s9, v10;
	v11 =	vshll.u32 v7, $0x2;
	v6 =	vand.u32 $0x7FFFC0E0, v6  }
0xb: {  	s2 =	rddreg [dreg:$0x0];
	v18 =	vand.u32 $0x7FFFC3E0, v11;
	v11 =	vor.u32 s9, v12;
	v12 =	vor.u32 $0x180, v0  }
0xc: {  	s3 =	rddreg [dreg:$0x1];
	s4 =	simm.s32 $0x0;
	s8 =	simm.s32 $0x100;
	v13 =	vor.u32 s9, v13;
	v16 =	vor.u32 v15, v6;
	v12 =	vor.u32 s9, v12  }
0xd: {  	s12 =	simm.s32 $0xE100;
	s13 =	simm.s32 $0xE900;
	s14 =	simm.s32 $0xF100;
	v6 =	vand.u32 $0x7, v9;
	v9 =	vor.u32 $0x8, v9;
	v19 =	vshll.u32 v12, $0x2  }
0xe: {  	s15 =	simm.s32 $0xF900;
	s16 =	simm.s32 $0x10100;
	s17 =	simm.s32 $0x10900;
	v18 =	vor.u32 v15, v18;
	v17 =	vperm.xlane v16, v6;
	v19 =	vand.u32 $0x7FFFC6E0, v19  }
0xf: {  	s18 =	simm.s32 $0x11100;
	s19 =	simm.s32 $0x11900;
	s20 =	simm.s32 $0x5;
	v16 =	vperm.xlane v16, v9;
	v20 =	vperm.xlane v18, v6;
	v19 =	vor.u32 v15, v19  }
0x10: {  	s21 =	simm.s32 $0x6;
	s22 =	simm.s32 $0x7;
	s0 =	ssub.s32 $0x2, s0;
	v14 =	vor.u32 s9, v14;
	v18 =	vperm.xlane v18, v9;
	v21 =	vperm.xlane v19, v6  }
0x11: {  	s23 =	simm.s32 $0x8;
	s24 =	simm.s32 $0x0;
	s5 =	sshrl.u32 s0, $0x1;
	v15 =	vadd.s32 v8, v17;
	v16 =	vadd.s32 v8, v16;
	v22 =	vperm.xlane v19, v9  }
0x12: {  	[smem:$0x7FF] =	sst s4;
	s6 =	sadd.s32 $0x100, s2;
	s0 =	ssub.s32 s0, s5;
	v17 =	vadd.s32 v8, v20;
	v18 =	vadd.s32 v8, v18;
	v19 =	vadd.s32 v8, v21  }
0x13: {  	_ =	strace $0x80000047;
	s5 =	smul.u32 $0xC00, s1;
	s7 =	smax.u32 s0, $0x1;
	v20 =	vadd.s32 v8, v22;
	v21 =	vor.u32 $0x400, v0;
	v22 =	vor.u32 $0x440, v0  }
.LBB2_1:
0x14: {  	_ = 	snop  }
0x15: {  	[tilespmem:$0x0] =	vst v2  }
0x16: {  	[tilespmem:$0x10] =	vst v4  }
0x17: {  	[tilespmem:$0x20] =	vst v5  }
0x18: {  	[tilespmem:s8], [sflag:$0x1] =	stream.indirect_vreg.gather [hbm4b:s2+s4], $0x80, v15, vm0, $0xb8;
	[tilespmem:$0x1E100] =	vst v63  }
0x19: {  	s0 =	simm.s32 $0x900  }
0x1a: {  	[tilespmem:s0], [sflag:$0x1] =	stream.indirect_vreg.gather [hbm4b:s6+s4], $0x80, v15, vm0, $0xb8;
	[tilespmem:$0x1E100] =	vst v63  }
0x1b: {  	s25 =	simm.s32 $0x1100  }
0x1c: {  	[tilespmem:s25], [sflag:$0x1] =	stream.indirect_vreg.gather [hbm4b:s2+s4], $0x80, v16, vm0, $0xb8;
	[tilespmem:$0x1E100] =	vst v63  }
0x1d: {  	s26 =	simm.s32 $0x1900  }
0x1e: {  	[tilespmem:s26], [sflag:$0x1] =	stream.indirect_vreg.gather [hbm4b:s6+s4], $0x80, v16, vm0, $0xb8;
	[tilespmem:$0x1E100] =	vst v63  }
0x1f: {  	v27 =	vld [tilespmem:$0x10];
	_ =	sdelay $0x4  }
0x20: {  	v28 =	vshll.u32 v27, $0x2  }
0x21: {  	v27 =	vand.u32 $0x7, v27;
	v28 =	vand.u32 $0xFFFFFFE0, v28  }
0x22: {  	v27 =	vor.u32 v27, v28  }
0x23: {  	v28 =	vperm.xlane v27, v6;
	_ =	sdelay $0x1  }
0x24: {  	v28 =	vadd.s32 v8, v28;
	_ =	sdelay $0x1  }
0x25: {  	v27 =	vperm.xlane v27, v9;
	_ =	sdelay $0x1  }
0x26: {  	s28 =	simm.s32 $0x2100;
	v27 =	vadd.s32 v8, v27  }
0x27: {  	[tilespmem:s28], [sflag:$0x1] =	stream.indirect_vreg.gather [hbm4b:s2+s4], $0x80, v28, vm0, $0xb8;
	[tilespmem:$0x1E100] =	vst v63  }
0x28: {  	s29 =	simm.s32 $0x2900  }
0x29: {  	[tilespmem:s29], [sflag:$0x1] =	stream.indirect_vreg.gather [hbm4b:s6+s4], $0x80, v28, vm0, $0xb8;
	[tilespmem:$0x1E100] =	vst v63  }
0x2a: {  	s30 =	simm.s32 $0x3100  }
0x2b: {  	[tilespmem:s30], [sflag:$0x1] =	stream.indirect_vreg.gather [hbm4b:s2+s4], $0x80, v27, vm0, $0xb8;
	[tilespmem:$0x1E100] =	vst v63  }
0x2c: {  	s31 =	simm.s32 $0x3900  }
0x2d: {  	[tilespmem:s31], [sflag:$0x1] =	stream.indirect_vreg.gather [hbm4b:s6+s4], $0x80, v27, vm0, $0xb8;
	[tilespmem:$0x1E100] =	vst v63  }
0x2e: {  	v27 =	vld [tilespmem:$0x20];
	_ =	sdelay $0x4  }
0x2f: {  	v59 =	vshll.u32 v27, $0x2  }
0x30: {  	v27 =	vand.u32 $0x7, v27;
	v28 =	vand.u32 $0xFFFFFFE0, v59  }
0x31: {  	v27 =	vor.u32 v27, v28  }
0x32: {  	v28 =	vperm.xlane v27, v6;
	_ =	sdelay $0x1  }
0x33: {  	v28 =	vadd.s32 v8, v28;
	_ =	sdelay $0x1  }
0x34: {  	v27 =	vperm.xlane v27, v9;
	_ =	sdelay $0x1  }
0x35: {  	s1 =	simm.s32 $0x4100;
	v27 =	vadd.s32 v8, v27  }
0x36: {  	[tilespmem:s1], [sflag:$0x1] =	stream.indirect_vreg.gather [hbm4b:s2+s4], $0x80, v28, vm0, $0xb8;
	[tilespmem:$0x1E100] =	vst v63  }
0x37: {  	s9 =	simm.s32 $0x4900  }
0x38: {  	[tilespmem:s9], [sflag:$0x1] =	stream.indirect_vreg.gather [hbm4b:s6+s4], $0x80, v28, vm0, $0xb8;
	[tilespmem:$0x1E100] =	vst v63  }
0x39: {  	s10 =	simm.s32 $0x5100  }
0x3a: {  	[tilespmem:s10], [sflag:$0x1] =	stream.indirect_vreg.gather [hbm4b:s2+s4], $0x80, v27, vm0, $0xb8;
	[tilespmem:$0x1E100] =	vst v63  }
0x3b: {  	s11 =	simm.s32 $0x5900  }
0x3c: {  	[tilespmem:s11], [sflag:$0x1] =	stream.indirect_vreg.gather [hbm4b:s6+s4], $0x80, v27, vm0, $0xb8;
	[tilespmem:$0x1E100] =	vst v63  }
0x3d: {  	[tilespmem:$0x30] =	vst v7  }
0x3e: {  	[tilespmem:$0x40] =	vst v10  }
0x3f: {  	s25 =	simm.s32 $0x6100;
	[tilespmem:$0x50] =	vst v11  }
0x40: {  	[tilespmem:s25], [sflag:$0x2] =	stream.indirect_vreg.gather [hbm4b:s2+s4], $0x80, v17, vm0, $0xb8;
	[tilespmem:$0x1E100] =	vst v63  }
0x41: {  	s26 =	simm.s32 $0x6900  }
0x42: {  	[tilespmem:s26], [sflag:$0x2] =	stream.indirect_vreg.gather [hbm4b:s6+s4], $0x80, v17, vm0, $0xb8;
	[tilespmem:$0x1E100] =	vst v63  }
0x43: {  	s28 =	simm.s32 $0x7100  }
0x44: {  	[tilespmem:s28], [sflag:$0x2] =	stream.indirect_vreg.gather [hbm4b:s2+s4], $0x80, v18, vm0, $0xb8;
	[tilespmem:$0x1E100] =	vst v63  }
0x45: {  	s29 =	simm.s32 $0x7900  }
0x46: {  	[tilespmem:s29], [sflag:$0x2] =	stream.indirect_vreg.gather [hbm4b:s6+s4], $0x80, v18, vm0, $0xb8;
	[tilespmem:$0x1E100] =	vst v63  }
0x47: {  	v27 =	vld [tilespmem:$0x40];
	_ =	sdelay $0x4  }
0x48: {  	v60 =	vshll.u32 v27, $0x2  }
0x49: {  	v27 =	vand.u32 $0x7, v27;
	v28 =	vand.u32 $0xFFFFFFE0, v60  }
0x4a: {  	v27 =	vor.u32 v27, v28  }
0x4b: {  	v28 =	vperm.xlane v27, v6;
	_ =	sdelay $0x1  }
0x4c: {  	v28 =	vadd.s32 v8, v28;
	_ =	sdelay $0x1  }
0x4d: {  	v27 =	vperm.xlane v27, v9;
	_ =	sdelay $0x1  }
0x4e: {  	s30 =	simm.s32 $0x8100;
	v27 =	vadd.s32 v8, v27  }
0x4f: {  	[tilespmem:s30], [sflag:$0x2] =	stream.indirect_vreg.gather [hbm4b:s2+s4], $0x80, v28, vm0, $0xb8;
	[tilespmem:$0x1E100] =	vst v63  }
0x50: {  	s31 =	simm.s32 $0x8900  }
0x51: {  	[tilespmem:s31], [sflag:$0x2] =	stream.indirect_vreg.gather [hbm4b:s6+s4], $0x80, v28, vm0, $0xb8;
	[tilespmem:$0x1E100] =	vst v63  }
0x52: {  	s1 =	simm.s32 $0x9100  }
0x53: {  	[tilespmem:s1], [sflag:$0x2] =	stream.indirect_vreg.gather [hbm4b:s2+s4], $0x80, v27, vm0, $0xb8;
	[tilespmem:$0x1E100] =	vst v63  }
0x54: {  	s9 =	simm.s32 $0x9900  }
0x55: {  	[tilespmem:s9], [sflag:$0x2] =	stream.indirect_vreg.gather [hbm4b:s6+s4], $0x80, v27, vm0, $0xb8;
	[tilespmem:$0x1E100] =	vst v63  }
0x56: {  	v27 =	vld [tilespmem:$0x50];
	_ =	sdelay $0x4  }
0x57: {  	v61 =	vshll.u32 v27, $0x2  }
0x58: {  	v27 =	vand.u32 $0x7, v27;
	v28 =	vand.u32 $0xFFFFFFE0, v61  }
0x59: {  	v27 =	vor.u32 v27, v28  }
0x5a: {  	v28 =	vperm.xlane v27, v6;
	_ =	sdelay $0x1  }
0x5b: {  	v28 =	vadd.s32 v8, v28;
	_ =	sdelay $0x1  }
0x5c: {  	v27 =	vperm.xlane v27, v9;
	_ =	sdelay $0x1  }
0x5d: {  	s10 =	simm.s32 $0xA100;
	v27 =	vadd.s32 v8, v27  }
0x5e: {  	[tilespmem:s10], [sflag:$0x2] =	stream.indirect_vreg.gather [hbm4b:s2+s4], $0x80, v28, vm0, $0xb8;
	[tilespmem:$0x1E100] =	vst v63  }
0x5f: {  	s11 =	simm.s32 $0xA900  }
0x60: {  	[tilespmem:s11], [sflag:$0x2] =	stream.indirect_vreg.gather [hbm4b:s6+s4], $0x80, v28, vm0, $0xb8;
	[tilespmem:$0x1E100] =	vst v63  }
0x61: {  	s25 =	simm.s32 $0xB100  }
0x62: {  	[tilespmem:s25], [sflag:$0x2] =	stream.indirect_vreg.gather [hbm4b:s2+s4], $0x80, v27, vm0, $0xb8;
	[tilespmem:$0x1E100] =	vst v63  }
0x63: {  	s26 =	simm.s32 $0xB900  }
0x64: {  	[tilespmem:s26], [sflag:$0x2] =	stream.indirect_vreg.gather [hbm4b:s6+s4], $0x80, v27, vm0, $0xb8;
	[tilespmem:$0x1E100] =	vst v63  }
0x65: {  	[tilespmem:$0x60] =	vst v12  }
0x66: {  	[tilespmem:$0x70] =	vst v13  }
0x67: {  	s28 =	simm.s32 $0xC100;
	[tilespmem:$0x80] =	vst v14  }
0x68: {  	[tilespmem:s28], [sflag:$0x3] =	stream.indirect_vreg.gather [hbm4b:s2+s4], $0x80, v19, vm0, $0xb8;
	[tilespmem:$0x1E100] =	vst v63  }
0x69: {  	s29 =	simm.s32 $0xC900  }
0x6a: {  	[tilespmem:s29], [sflag:$0x3] =	stream.indirect_vreg.gather [hbm4b:s6+s4], $0x80, v19, vm0, $0xb8;
	[tilespmem:$0x1E100] =	vst v63  }
0x6b: {  	s30 =	simm.s32 $0xD100  }
0x6c: {  	[tilespmem:s30], [sflag:$0x3] =	stream.indirect_vreg.gather [hbm4b:s2+s4], $0x80, v20, vm0, $0xb8;
	[tilespmem:$0x1E100] =	vst v63  }
0x6d: {  	s31 =	simm.s32 $0xD900  }
0x6e: {  	[tilespmem:s31], [sflag:$0x3] =	stream.indirect_vreg.gather [hbm4b:s6+s4], $0x80, v20, vm0, $0xb8;
	[tilespmem:$0x1E100] =	vst v63  }
0x6f: {  	v27 =	vld [tilespmem:$0x70];
	_ =	sdelay $0x4  }
0x70: {  	v62 =	vshll.u32 v27, $0x2  }
0x71: {  	v27 =	vand.u32 $0x7, v27;
	v28 =	vand.u32 $0xFFFFFFE0, v62  }
0x72: {  	v27 =	vor.u32 v27, v28  }
0x73: {  	v28 =	vperm.xlane v27, v6;
	_ =	sdelay $0x1  }
0x74: {  	v28 =	vadd.s32 v8, v28;
	_ =	sdelay $0x1  }
0x75: {  	v27 =	vperm.xlane v27, v9;
	_ =	sdelay $0x1  }
0x76: {  	v27 =	vadd.s32 v8, v27  }
0x77: {  	[tilespmem:s12], [sflag:$0x3] =	stream.indirect_vreg.gather [hbm4b:s2+s4], $0x80, v28, vm0, $0xb8;
	[tilespmem:$0x1E100] =	vst v63  }
0x78: {  	_ = 	snop  }
0x79: {  	[tilespmem:s13], [sflag:$0x3] =	stream.indirect_vreg.gather [hbm4b:s6+s4], $0x80, v28, vm0, $0xb8;
	[tilespmem:$0x1E100] =	vst v63  }
0x7a: {  	_ = 	snop  }
0x7b: {  	[tilespmem:s14], [sflag:$0x3] =	stream.indirect_vreg.gather [hbm4b:s2+s4], $0x80, v27, vm0, $0xb8;
	[tilespmem:$0x1E100] =	vst v63  }
0x7c: {  	_ = 	snop  }
0x7d: {  	[tilespmem:s15], [sflag:$0x3] =	stream.indirect_vreg.gather [hbm4b:s6+s4], $0x80, v27, vm0, $0xb8;
	[tilespmem:$0x1E100] =	vst v63  }
0x7e: {  	v27 =	vld [tilespmem:$0x80];
	_ =	sdelay $0x4  }
0x7f: {  	v63 =	vshll.u32 v27, $0x2  }
0x80: {  	v27 =	vand.u32 $0x7, v27;
	v28 =	vand.u32 $0xFFFFFFE0, v63  }
0x81: {  	v27 =	vor.u32 v27, v28  }
0x82: {  	v28 =	vperm.xlane v27, v6;
	_ =	sdelay $0x1  }
0x83: {  	v28 =	vadd.s32 v8, v28;
	_ =	sdelay $0x1  }
0x84: {  	v27 =	vperm.xlane v27, v9;
	_ =	sdelay $0x1  }
0x85: {  	v27 =	vadd.s32 v8, v27  }
0x86: {  	[tilespmem:s16], [sflag:$0x3] =	stream.indirect_vreg.gather [hbm4b:s2+s4], $0x80, v28, vm0, $0xb8;
	[tilespmem:$0x1E100] =	vst v63  }
0x87: {  	_ = 	snop  }
0x88: {  	[tilespmem:s17], [sflag:$0x3] =	stream.indirect_vreg.gather [hbm4b:s6+s4], $0x80, v28, vm0, $0xb8;
	[tilespmem:$0x1E100] =	vst v63  }
0x89: {  	_ = 	snop  }
0x8a: {  	[tilespmem:s18], [sflag:$0x3] =	stream.indirect_vreg.gather [hbm4b:s2+s4], $0x80, v27, vm0, $0xb8;
	[tilespmem:$0x1E100] =	vst v63  }
0x8b: {  	s25 =	simm.s32 $0x0;
	s26 =	simm.s32 $0x0  }
0x8c: {  	[tilespmem:s19], [sflag:$0x3] =	stream.indirect_vreg.gather [hbm4b:s6+s4], $0x80, v27, vm0, $0xb8;
	[tilespmem:$0x1E100] =	vst v63  }
.LBB2_2:
0x8d: {  	p0 =	sgt.u32 s26, $0x3C  }
.Ltmp0:
0x8e: {  	_ = 	snop;
	(pc) =	sbr.rel @p0 .LBB2_4-.Ltmp0, $1  }
0x8f: {  	_ =	sdelay $0x3  }
0x90: {  	s0 =	sadd.s32 $0x3, s26  }
0x91: {  	s1 =	smul.u32 $0x30, s0;
	_ =	sdelay $0x1  }
0x92: {  	v27 =	vmov s1  }
0x93: {  	v27 =	vshll.u32 v27, $0x2  }
0x94: {  	v28 =	vand.u32 $0x7E00, v27;
	v27 =	vor.u32 v0, v27  }
0x95: {  	v28 =	vadd.s32 v1, v28;
	v29 =	vand.u32 $0x1FC, v27  }
0x96: {  	v28 =	vor.u32 v29, v28  }
0x97: {  	v29 =	vshll.u32 v28, $0x2  }
0x98: {  	s28 =	sadd.s32 $0x10, s1;
	v27 =	vand.u32 $0x4, v27;
	v29 =	vand.u32 $0xFFFFFFE0, v29  }
0x99: {  	s1 =	sadd.s32 $0x20, s1;
	v30 =	vmov s28;
	v27 =	vor.u32 v27, v29  }
0x9a: {  	s0 =	sand.u32 $0x3, s0;
	v32 =	vmov s1;
	v30 =	vshll.u32 v30, $0x2;
	v31 =	vperm.xlane v27, v6  }
0x9b: {  	s30 =	smul.u32 $0xC0, s0;
	v32 =	vshll.u32 v32, $0x2;
	v58 =	vand.u32 $0x7FFFFE00, v30;
	v30 =	vor.u32 v0, v30  }
0x9c: {  	v59 =	vand.u32 $0x7FFFFE00, v32;
	v32 =	vor.u32 v0, v32;
	v31 =	vadd.s32 v8, v31  }
0x9d: {  	s31 =	smul.u32 $0x18000, s0;
	s1 =	sshrl.u32 s30, $0x2;
	v30 =	vand.u32 $0x1FC, v30;
	v60 =	vadd.s32 v1, v59;
	v61 =	vand.u32 $0x1FC, v32  }
0x9e: {  	[tilespmem:s1+$0x0] =	vst v28;
	v28 =	vor.u32 v61, v60;
	v29 =	vadd.s32 v1, v58;
	v27 =	vperm.xlane v27, v9  }
0x9f: {  	s28 =	sshrl.u32 s31, $0x2;
	[tilespmem:s1+$0x20] =	vst v28;
	v29 =	vor.u32 v30, v29  }
0xa0: {  	s0 =	sadd.s32 $0x1, s0;
	s29 =	sor.u32 $0x100, s28;
	[tilespmem:s1+$0x10] =	vst v29;
	v27 =	vadd.s32 v8, v27  }
0xa1: {  	[tilespmem:s29], [sflag:s0] =	stream.indirect_vreg.gather [hbm4b:s2+s4], $0x80, v31, vm0, $0xb8;
	[tilespmem:$0x1E100] =	vst v63  }
0xa2: {  	s9 =	sor.u32 $0x900, s28  }
0xa3: {  	[tilespmem:s9], [sflag:s0] =	stream.indirect_vreg.gather [hbm4b:s6+s4], $0x80, v31, vm0, $0xb8;
	[tilespmem:$0x1E100] =	vst v63  }
0xa4: {  	s10 =	sor.u32 $0x1100, s28  }
0xa5: {  	[tilespmem:s10], [sflag:s0] =	stream.indirect_vreg.gather [hbm4b:s2+s4], $0x80, v27, vm0, $0xb8;
	[tilespmem:$0x1E100] =	vst v63  }
0xa6: {  	s11 =	sor.u32 $0x1900, s28  }
0xa7: {  	[tilespmem:s11], [sflag:s0] =	stream.indirect_vreg.gather [hbm4b:s6+s4], $0x80, v27, vm0, $0xb8;
	[tilespmem:$0x1E100] =	vst v63  }
0xa8: {  	v27 =	vld [tilespmem:s1+$0x10];
	_ =	sdelay $0x4  }
0xa9: {  	v62 =	vshll.u32 v27, $0x2  }
0xaa: {  	v27 =	vand.u32 $0x7, v27;
	v28 =	vand.u32 $0xFFFFFFE0, v62  }
0xab: {  	v27 =	vor.u32 v27, v28  }
0xac: {  	v28 =	vperm.xlane v27, v6;
	_ =	sdelay $0x1  }
0xad: {  	v28 =	vadd.s32 v8, v28;
	_ =	sdelay $0x1  }
0xae: {  	v27 =	vperm.xlane v27, v9;
	_ =	sdelay $0x1  }
0xaf: {  	s30 =	sadd.s32 $0x2100, s28;
	v27 =	vadd.s32 v8, v27  }
0xb0: {  	[tilespmem:s30], [sflag:s0] =	stream.indirect_vreg.gather [hbm4b:s2+s4], $0x80, v28, vm0, $0xb8;
	[tilespmem:$0x1E100] =	vst v63  }
0xb1: {  	s31 =	sadd.s32 $0x2900, s28  }
0xb2: {  	[tilespmem:s31], [sflag:s0] =	stream.indirect_vreg.gather [hbm4b:s6+s4], $0x80, v28, vm0, $0xb8;
	[tilespmem:$0x1E100] =	vst v63  }
0xb3: {  	s9 =	sadd.s32 $0x3100, s28  }
0xb4: {  	[tilespmem:s9], [sflag:s0] =	stream.indirect_vreg.gather [hbm4b:s2+s4], $0x80, v27, vm0, $0xb8;
	[tilespmem:$0x1E100] =	vst v63  }
0xb5: {  	s10 =	sadd.s32 $0x3900, s28  }
0xb6: {  	[tilespmem:s10], [sflag:s0] =	stream.indirect_vreg.gather [hbm4b:s6+s4], $0x80, v27, vm0, $0xb8;
	[tilespmem:$0x1E100] =	vst v63  }
0xb7: {  	v27 =	vld [tilespmem:s1+$0x20];
	_ =	sdelay $0x4  }
0xb8: {  	v63 =	vshll.u32 v27, $0x2  }
0xb9: {  	v27 =	vand.u32 $0x7, v27;
	v28 =	vand.u32 $0xFFFFFFE0, v63  }
0xba: {  	v27 =	vor.u32 v27, v28  }
0xbb: {  	v28 =	vperm.xlane v27, v6;
	_ =	sdelay $0x1  }
0xbc: {  	v28 =	vadd.s32 v8, v28;
	_ =	sdelay $0x1  }
0xbd: {  	v27 =	vperm.xlane v27, v9;
	_ =	sdelay $0x1  }
0xbe: {  	s11 =	sadd.s32 $0x4100, s28;
	v27 =	vadd.s32 v8, v27  }
0xbf: {  	[tilespmem:s11], [sflag:s0] =	stream.indirect_vreg.gather [hbm4b:s2+s4], $0x80, v28, vm0, $0xb8;
	[tilespmem:$0x1E100] =	vst v63  }
0xc0: {  	s29 =	sadd.s32 $0x4900, s28  }
0xc1: {  	[tilespmem:s29], [sflag:s0] =	stream.indirect_vreg.gather [hbm4b:s6+s4], $0x80, v28, vm0, $0xb8;
	[tilespmem:$0x1E100] =	vst v63  }
0xc2: {  	s30 =	sadd.s32 $0x5100, s28  }
0xc3: {  	[tilespmem:s30], [sflag:s0] =	stream.indirect_vreg.gather [hbm4b:s2+s4], $0x80, v27, vm0, $0xb8;
	[tilespmem:$0x1E100] =	vst v63  }
0xc4: {  	s31 =	sadd.s32 $0x5900, s28  }
0xc5: {  	[tilespmem:s31], [sflag:s0] =	stream.indirect_vreg.gather [hbm4b:s6+s4], $0x80, v27, vm0, $0xb8;
	[tilespmem:$0x1E100] =	vst v63  }
.LBB2_4:
0xc6: {  	s28 =	sand.u32 $0x3, s26  }
0xc7: {  	s29 =	smul.u32 $0x30, s28;
	_ =	sdelay $0x1  }
0xc8: {  	s0 =	sadd.s32 $0x0, s29  }
0xc9: {  	s1 =	sadd.s32 $0x3, s0;
	v29 =	vmov s0;
	s30 =	sadd.s32 $0x1, s0;
	s0 =	sadd.s32 $0x2, s0  }
0xca: {  	v27 =	vmov s1;
	v31 =	vshll.u32 v29, $0x9;
	v33 =	vmov s0  }
0xcb: {  	v28 =	vshll.u32 v27, $0x9;
	v27 =	vshll.u32 v27, $0x7;
	v31 =	vand.u32 $0x7FFFF000, v31  }
0xcc: {  	s9 =	sadd.s32 $0x1, s28;
	v35 =	vshll.u32 v33, $0x7;
	v28 =	vand.u32 $0x7FFFF000, v28;
	v27 =	vand.u32 $0x380, v27  }
0xcd: {  	_ =	swait.ge [sflag:s9], $0x6000;
	v30 =	vor.u32 v27, v28;
	v27 =	vshll.u32 v29, $0x7;
	v28 =	vmov s30  }
0xce: {  	p0 =	slt.u32 s26, $0x4;
	[sflag:s9] =	ssyncset.done $0x0;
	v29 =	vor.u32 v0, v30;
	v32 =	vshll.u32 v28, $0x7;
	v28 =	vshll.u32 v28, $0x9  }
0xcf: {  	[sflag:s9] =	ssyncadd.s32 $0xFFFFA000;
	s1 =	sadd.s32 @!p0 $0x5, s28;
	v27 =	vand.u32 $0x200, v27;
	v28 =	vand.u32 $0x7FFFF000, v28;
	v32 =	vand.u32 $0x280, v32  }
0xd0: {  	_ =	swait.ge @!p0 [sflag:s1], $0x1800;
	v36 =	vor.u32 v27, v31;
	v27 =	vshll.u32 v33, $0x9;
	v34 =	vor.u32 v32, v28  }
0xd1: {  	[sflag:s1] =	ssyncset.done @!p0 $0x0;
	v31 =	vand.u32 $0x300, v35;
	v27 =	vand.u32 $0x7FFFF000, v27;
	v28 =	vor.u32 v0, v34  }
0xd2: {  	[sflag:s1] =	ssyncadd.s32 @!p0 $0xFFFFE800;
	v54 =	vor.u32 v0, v36;
	v35 =	vor.u32 v31, v27  }
0xd3: {  	s10 =	sand.u32 $0x3, s25;
	v31 =	vor.u32 v0, v35;
	v29 =	vld.idx.msk [tilespmem:v29+s8+$0x0], $0xffff  }
0xd4: {  	s0 =	smul.u32 $0x6000, s10  }
0xd5: {  	v27 =	vor.u32 v3, v30  }
0xd6: {  	s0 =	sshrl.u32 s0, $0x2;
	v28 =	vld.idx.msk [tilespmem:v28+s8+$0x0], $0xffff  }
0xd7: {  	s31 =	sor.u32 $0x18200, s0;
	v55 =	vor.u32 v3, v34;
	v32 =	vld.idx.msk [tilespmem:v54+s8+$0x0], $0xffff  }
0xd8: {  	v31 =	vld.idx.msk [tilespmem:v31+s8+$0x0], $0xffff;
	[tilespmem:s31+$0x80] =	vst v29;
	v29 =	vor.u32 v3, v36  }
0xd9: {  	v38 =	vor.u32 v3, v35  }
0xda: {  	s11 =	sadd.s32 $0x4, s29;
	v27 =	vld.idx.msk [tilespmem:v27+s8+$0x0], $0xffff  }
0xdb: {  	s9 =	sadd.s32 $0x3, s11;
	v37 =	vor.u32 v21, v30;
	[tilespmem:s31+$0xFFFFFF80] =	vst v28  }
0xdc: {  	v42 =	vmov s9;
	[tilespmem:s31+$0xFFFFFF00] =	vst v32;
	v56 =	vld.idx.msk [tilespmem:v55+s8+$0x0], $0xffff  }
0xdd: {  	v58 =	vshll.u32 v42, $0x9;
	v42 =	vshll.u32 v42, $0x7;
	[tilespmem:s31+$0x0] =	vst v31;
	v29 =	vld.idx.msk [tilespmem:v29+s8+$0x0], $0xffff  }
0xde: {  	v59 =	vand.u32 $0x380, v42;
	v57 =	vor.u32 v21, v34;
	v28 =	vmov s11;
	v38 =	vld.idx.msk [tilespmem:v38+s8+$0x0], $0xffff  }
0xdf: {  	v41 =	vor.u32 v21, v35;
	[tilespmem:s31+$0x90] =	vst v27;
	v27 =	vshll.u32 v28, $0x9;
	v28 =	vshll.u32 v28, $0x7  }
0xe0: {  	v40 =	vor.u32 v21, v36;
	v31 =	vld.idx.msk [tilespmem:v37+s8+$0x0], $0xffff;
	v27 =	vand.u32 $0x7FFFF000, v27;
	v28 =	vand.u32 $0x200, v28  }
0xe1: {  	s30 =	sadd.s32 $0x1, s11;
	v39 =	vor.u32 v22, v30;
	v28 =	vor.u32 v28, v27;
	v27 =	vand.u32 $0x7FFFF000, v58;
	[tilespmem:s31+$0xFFFFFF90] =	vst v56  }
0xe2: {  	v43 =	vmov s30;
	v60 =	vor.u32 v0, v28;
	v37 =	vor.u32 v59, v27;
	[tilespmem:s31+$0xFFFFFF10] =	vst v29  }
0xe3: {  	v44 =	vshll.u32 v43, $0x7;
	v27 =	vshll.u32 v43, $0x9;
	v29 =	vld.idx.msk [tilespmem:v57+s8+$0x0], $0xffff;
	v61 =	vor.u32 v0, v37;
	[tilespmem:s31+$0x10] =	vst v38  }
0xe4: {  	v62 =	vand.u32 $0x280, v44;
	v63 =	vor.u32 v22, v34;
	v27 =	vand.u32 $0x7FFFF000, v27;
	v41 =	vld.idx.msk [tilespmem:v41+s8+$0x0], $0xffff  }
0xe5: {  	s0 =	sadd.s32 $0x2, s11;
	v51 =	vor.u32 v22, v35;
	v40 =	vld.idx.msk [tilespmem:v40+s8+$0x0], $0xffff;
	v27 =	vor.u32 v62, v27;
	[tilespmem:s31+$0xA0] =	vst v31  }
0xe6: {  	v49 =	vmov s0;
	v48 =	vor.u32 v0, v27;
	v31 =	vld.idx.msk [tilespmem:v39+s8+$0x0], $0xffff  }
0xe7: {  	v50 =	vor.u32 v23, v30;
	v45 =	vshll.u32 v49, $0x7;
	v39 =	vshll.u32 v49, $0x9;
	v32 =	vld.idx.msk [tilespmem:v60+s8+$0x0], $0xffff  }
0xe8: {  	v45 =	vand.u32 $0x300, v45;
	v46 =	vor.u32 v3, v28;
	v39 =	vand.u32 $0x7FFFF000, v39;
	[tilespmem:s31+$0xFFFFFFA0] =	vst v29;
	v33 =	vld.idx.msk [tilespmem:v61+s8+$0x0], $0xffff  }
0xe9: {  	v58 =	vor.u32 v22, v36;
	v29 =	vor.u32 v45, v39;
	v39 =	vld.idx.msk [tilespmem:v63+s8+$0x0], $0xffff;
	[tilespmem:s31+$0x20] =	vst v41  }
0xea: {  	v52 =	vor.u32 v3, v37;
	v55 =	vld.idx.msk [tilespmem:v51+s8+$0x0], $0xffff  }
0xeb: {  	s30 =	sadd.s32 $0x200, s31;
	v45 =	vor.u32 v0, v29;
	[tilespmem:s31+$0xB0] =	vst v31;
	v31 =	vld.idx.msk [tilespmem:v48+s8+$0x0], $0xffff  }
0xec: {  	v61 =	vor.u32 v23, v35;
	v54 =	vld.idx.msk [tilespmem:v50+s8+$0x0], $0xffff;
	[tilespmem:s30+$0xFFFFFF00] =	vst v32  }
0xed: {  	v53 =	vor.u32 v3, v27;
	[tilespmem:s31+$0xFFFFFF20] =	vst v40;
	v57 =	vld.idx.msk [tilespmem:v46+s8+$0x0], $0xffff  }
0xee: {  	v56 =	vor.u32 v24, v30;
	[tilespmem:s30+$0x80] =	vst v33;
	v33 =	vld.idx.msk [tilespmem:v58+s8+$0x0], $0xffff  }
0xef: {  	s10 =	sadd.s32 $0x8, s29;
	v59 =	vor.u32 v21, v28;
	v62 =	vor.u32 v25, v30;
	v43 =	vld.idx.msk [tilespmem:v52+s8+$0x0], $0xffff;
	[tilespmem:s31+$0xFFFFFFB0] =	vst v39  }
0xf0: {  	v63 =	vor.u32 v23, v36;
	v48 =	vor.u32 v26, v30;
	v30 =	vmov s10;
	v45 =	vld.idx.msk [tilespmem:v45+s8+$0x0], $0xffff;
	[tilespmem:s31+$0x30] =	vst v55  }
0xf1: {  	v58 =	vor.u32 v23, v34;
	v52 =	vshll.u32 v30, $0x9;
	v30 =	vshll.u32 v30, $0x7;
	[tilespmem:s30+$0xFFFFFF80] =	vst v31;
	v40 =	vld.idx.msk [tilespmem:v61+s8+$0x0], $0xffff  }
0xf2: {  	v47 =	vor.u32 v21, v37;
	v52 =	vand.u32 $0x7FFFF000, v52;
	v30 =	vand.u32 $0x200, v30;
	v31 =	vld.idx.msk [tilespmem:v53+s8+$0x0], $0xffff;
	[tilespmem:s31+$0xC0] =	vst v54  }
0xf3: {  	v60 =	vor.u32 v3, v29;
	v30 =	vor.u32 v30, v52;
	v32 =	vld.idx.msk [tilespmem:v56+s8+$0x0], $0xffff;
	[tilespmem:s30+$0xFFFFFF10] =	vst v57  }
0xf4: {  	v52 =	vor.u32 v0, v30;
	[tilespmem:s31+$0xFFFFFF30] =	vst v33;
	v44 =	vld.idx.msk [tilespmem:v59+s8+$0x0], $0xffff  }
0xf5: {  	v50 =	vor.u32 v21, v27;
	[tilespmem:s30+$0x90] =	vst v43;
	v43 =	vld.idx.msk [tilespmem:v63+s8+$0x0], $0xffff  }
0xf6: {  	s11 =	sadd.s32 $0x3, s10;
	[tilespmem:s30+$0x0] =	vst v45;
	v45 =	vld.idx.msk [tilespmem:v58+s8+$0x0], $0xffff  }
0xf7: {  	v53 =	vmov s11;
	v59 =	vor.u32 v24, v35;
	v57 =	vld.idx.msk [tilespmem:v47+s8+$0x0], $0xffff  }
0xf8: {  	v42 =	vor.u32 v24, v36;
	v63 =	vshll.u32 v53, $0x9;
	v53 =	vshll.u32 v53, $0x7;
	v38 =	vld.idx.msk [tilespmem:v60+s8+$0x0], $0xffff;
	[tilespmem:s31+$0x40] =	vst v40  }
0xf9: {  	s0 =	sadd.s32 $0x2, s10;
	v49 =	vor.u32 v24, v34;
	v58 =	vand.u32 $0x380, v53;
	[tilespmem:s30+$0xFFFFFF90] =	vst v31;
	v53 =	vld.idx.msk [tilespmem:v52+s8+$0x0], $0xffff  }
0xfa: {  	v56 =	vor.u32 v22, v37;
	v31 =	vmov s0;
	[tilespmem:s31+$0xD0] =	vst v32;
	v50 =	vld.idx.msk [tilespmem:v50+s8+$0x0], $0xffff  }
0xfb: {  	s9 =	sadd.s32 $0x1, s10;
	v51 =	vor.u32 v21, v29;
	v55 =	vshll.u32 v31, $0x7;
	v60 =	vld.idx.msk [tilespmem:v62+s8+$0x0], $0xffff;
	[tilespmem:s31+$0xFFFFFF40] =	vst v43  }
0xfc: {  	v61 =	vmov s9;
	v31 =	vshll.u32 v31, $0x9;
	v62 =	vand.u32 $0x300, v55;
	v55 =	vld.idx.msk [tilespmem:v59+s8+$0x0], $0xffff;
	[tilespmem:s31+$0xFFFFFFC0] =	vst v45  }
0xfd: {  	v39 =	vor.u32 v22, v27;
	v54 =	vshll.u32 v61, $0x7;
	v31 =	vand.u32 $0x7FFFF000, v31;
	[tilespmem:s30+$0xFFFFFF20] =	vst v44;
	v42 =	vld.idx.msk [tilespmem:v42+s8+$0x0], $0xffff  }
0xfe: {  	v59 =	vshll.u32 v61, $0x9;
	[tilespmem:s30+$0xA0] =	vst v57;
	v57 =	vand.u32 $0x7FFFF000, v63;
	v31 =	vor.u32 v62, v31;
	v63 =	vld.idx.msk [tilespmem:v49+s8+$0x0], $0xffff  }
0xff: {  	s1 =	sadd.s32 $0x200, s30;
	[tilespmem:s30+$0x10] =	vst v38;
	v33 =	vand.u32 $0x7FFFF000, v59;
	v62 =	vand.u32 $0x280, v54;
	v54 =	vor.u32 v25, v36;
	v46 =	vld.idx.msk [tilespmem:v56+s8+$0x0], $0xffff  }
0x100: {  	v32 =	vor.u32 v58, v57;
	v33 =	vor.u32 v62, v33;
	v57 =	vor.u32 v3, v30;
	[tilespmem:s1+$0xFFFFFF00] =	vst v53  }
0x101: {  	v51 =	vld.idx.msk [tilespmem:v51+s8+$0x0], $0xffff;
	v56 =	vor.u32 v0, v33;
	[tilespmem:s30+$0xFFFFFFA0] =	vst v50  }
0x102: {  	[tilespmem:s31+$0xE0] =	vst v60;
	v60 =	vor.u32 v0, v31;
	v39 =	vld.idx.msk [tilespmem:v39+s8+$0x0], $0xffff  }
0x103: {  	v61 =	vor.u32 v0, v32;
	v38 =	vld.idx.msk [tilespmem:v48+s8+$0x0], $0xffff;
	[tilespmem:s31+$0xFFFFFF50] =	vst v42  }
0x104: {  	v41 =	vor.u32 v22, v29;
	[tilespmem:s31+$0x50] =	vst v55;
	v47 =	vld.idx.msk [tilespmem:v54+s8+$0x0], $0xffff  }
0x105: {  	v58 =	vor.u32 v23, v37;
	[tilespmem:s31+$0xFFFFFFD0] =	vst v63;
	v48 =	vld.idx.msk [tilespmem:v57+s8+$0x0], $0xffff  }
0x106: {  	v59 =	vor.u32 v25, v34;
	[tilespmem:s30+$0xB0] =	vst v46;
	v62 =	vld.idx.msk [tilespmem:v56+s8+$0x0], $0xffff  }
0x107: {  	v63 =	vor.u32 v3, v33;
	[tilespmem:s30+$0x20] =	vst v51;
	v40 =	vld.idx.msk [tilespmem:v60+s8+$0x0], $0xffff  }
0x108: {  	v60 =	vor.u32 v25, v35;
	[tilespmem:s31+$0xF0] =	vst v38;
	v38 =	vld.idx.msk [tilespmem:v61+s8+$0x0], $0xffff  }
0x109: {  	v41 =	vld.idx.msk [tilespmem:v41+s8+$0x0], $0xffff;
	[tilespmem:s30+$0xFFFFFFB0] =	vst v39;
	v61 =	vor.u32 v3, v32  }
0x10a: {  	v36 =	vor.u32 v26, v36;
	v56 =	vld.idx.msk [tilespmem:v58+s8+$0x0], $0xffff;
	[tilespmem:s31+$0xFFFFFF60] =	vst v47  }
0x10b: {  	v58 =	vld.idx.msk [tilespmem:v59+s8+$0x0], $0xffff;
	v59 =	vor.u32 v24, v37;
	[tilespmem:s1+$0xFFFFFF80] =	vst v62  }
0x10c: {  	v57 =	vor.u32 v21, v30;
	[tilespmem:s1+$0xFFFFFF10] =	vst v48;
	v39 =	vld.idx.msk [tilespmem:v63+s8+$0x0], $0xffff  }
0x10d: {  	v63 =	vor.u32 v26, v34;
	v43 =	vld.idx.msk [tilespmem:v60+s8+$0x0], $0xffff;
	[tilespmem:s1+$0x80] =	vst v38  }
0x10e: {  	[tilespmem:s30+$0x30] =	vst v41;
	v60 =	vor.u32 v22, v28;
	v46 =	vld.idx.msk [tilespmem:v61+s8+$0x0], $0xffff  }
0x10f: {  	v41 =	vld.idx.msk [tilespmem:v36+s8+$0x0], $0xffff;
	[tilespmem:s30+$0xC0] =	vst v56;
	v61 =	vor.u32 v26, v35  }
0x110: {  	v62 =	vor.u32 v21, v32;
	[tilespmem:s31+$0xFFFFFFE0] =	vst v58;
	v44 =	vld.idx.msk [tilespmem:v59+s8+$0x0], $0xffff  }
0x111: {  	v51 =	vor.u32 v3, v31;
	[tilespmem:s1+$0x0] =	vst v40;
	v40 =	vld.idx.msk [tilespmem:v57+s8+$0x0], $0xffff  }
0x112: {  	v49 =	vor.u32 v23, v28;
	v48 =	vor.u32 v23, v29;
	v47 =	vld.idx.msk [tilespmem:v63+s8+$0x0], $0xffff;
	[tilespmem:s31+$0x60] =	vst v43  }
0x113: {  	v50 =	vor.u32 v23, v27;
	v42 =	vld.idx.msk [tilespmem:v60+s8+$0x0], $0xffff;
	[tilespmem:s1+$0x90] =	vst v46;
	v46 =	vor.u32 v25, v37  }
0x114: {  	v34 =	vor.u32 v22, v32;
	v38 =	vor.u32 v26, v37;
	v35 =	vor.u32 v24, v28;
	v45 =	vld.idx.msk [tilespmem:v61+s8+$0x0], $0xffff  }
0x115: {  	s0 =	simm.s32 $0xC;
	[tilespmem:s1+$0xFFFFFF90] =	vst v39;
	v39 =	vor.u32 v24, v29;
	v37 =	vor.u32 v24, v27;
	v43 =	vld.idx.msk [tilespmem:v62+s8+$0x0], $0xffff  }
.LBB2_5:
0x116: {  	s9 =	sadd.s32 s29, s0;
	p0 =	slt.u32 s0, $0x2C;
	s0 =	sadd.s32 $0x4, s0;
	v52 =	vor.u32 v22, v33;
	v51 =	vld.idx.msk [tilespmem:v51+s8+$0x0], $0xffff;
	v53 =	vor.u32 v22, v31;
	[tilespmem:s31+$0xFFFFFF70] =	vst v41;
	v36 =	vmov v40  }
0x117: {  	v41 =	vor.u32 v21, v33;
	v54 =	vor.u32 v21, v31;
	v40 =	vmov s9;
	s10 =	sadd.s32 $0x1, s9;
	s11 =	sadd.s32 $0x2, s9;
	s9 =	sadd.s32 $0x3, s9;
	v48 =	vld.idx.msk [tilespmem:v48+s8+$0x0], $0xffff;
	[tilespmem:s30+$0xD0] =	vst v44  }
0x118: {  	v44 =	vshll.u32 v40, $0x9;
	v40 =	vshll.u32 v40, $0x7;
	v55 =	vmov s9;
	[tilespmem:s30+$0xFFFFFF30] =	vst v42;
	v42 =	vld.idx.msk [tilespmem:v46+s8+$0x0], $0xffff  }
0x119: {  	v46 =	vmov s10;
	v56 =	vmov s11;
	v44 =	vand.u32 $0x7FFFF000, v44;
	v49 =	vld.idx.msk [tilespmem:v49+s8+$0x0], $0xffff;
	[tilespmem:s31+$0x70] =	vst v45  }
0x11a: {  	v40 =	vand.u32 $0x200, v40;
	v45 =	vshll.u32 v46, $0x7;
	v57 =	vshll.u32 v56, $0x7;
	[tilespmem:s1+$0xA0] =	vst v43;
	v43 =	vld.idx.msk [tilespmem:v50+s8+$0x0], $0xffff  }
0x11b: {  	v50 =	vand.u32 $0x300, v57;
	v57 =	vshll.u32 v55, $0x9;
	v55 =	vshll.u32 v55, $0x7;
	v58 =	vld.idx.msk [tilespmem:v34+s8+$0x0], $0xffff;
	[tilespmem:s31+$0xFFFFFFF0] =	vst v47;
	s31 =	smov.u32 s30;
	s30 =	smov.u32 s1  }
0x11c: {  	v40 =	vor.u32 v40, v44;
	v34 =	vand.u32 $0x7FFFF000, v57;
	v44 =	vand.u32 $0x380, v55;
	v41 =	vld.idx.msk [tilespmem:v41+s8+$0x0], $0xffff;
	[tilespmem:s1+$0x10] =	vst v51  }
0x11d: {  	v47 =	vor.u32 v0, v40;
	v51 =	vshll.u32 v56, $0x9;
	v55 =	vor.u32 v44, v34;
	v44 =	vld.idx.msk [tilespmem:v54+s8+$0x0], $0xffff;
	[tilespmem:s31+$0x40] =	vst v48  }
0x11e: {  	v34 =	vshll.u32 v46, $0x9;
	v46 =	vand.u32 $0x7FFFF000, v51;
	v48 =	vor.u32 v0, v55;
	v39 =	vld.idx.msk [tilespmem:v39+s8+$0x0], $0xffff;
	[tilespmem:s31+$0xE0] =	vst v42  }
0x11f: {  	v34 =	vand.u32 $0x7FFFF000, v34;
	v42 =	vand.u32 $0x280, v45;
	v45 =	vor.u32 v50, v46;
	[tilespmem:s31+$0xFFFFFF40] =	vst v49;
	v38 =	vld.idx.msk [tilespmem:v38+s8+$0x0], $0xffff  }
0x120: {  	v42 =	vor.u32 v42, v34;
	v46 =	vor.u32 v0, v45;
	v35 =	vld.idx.msk [tilespmem:v35+s8+$0x0], $0xffff;
	[tilespmem:s31+$0xFFFFFFC0] =	vst v43  }
0x121: {  	v34 =	vor.u32 v22, v55;
	[tilespmem:s1+$0xB0] =	vst v58;
	v37 =	vld.idx.msk [tilespmem:v37+s8+$0x0], $0xffff  }
0x122: {  	v43 =	vld.idx.msk [tilespmem:v47+s8+$0x0], $0xffff;
	[tilespmem:s1+$0xFFFFFFA0] =	vst v41;
	v41 =	vor.u32 v25, v28  }
0x123: {  	v47 =	vor.u32 v0, v42;
	v49 =	vld.idx.msk [tilespmem:v52+s8+$0x0], $0xffff;
	[tilespmem:s1+$0x20] =	vst v44  }
0x124: {  	v44 =	vor.u32 v3, v40;
	v50 =	vld.idx.msk [tilespmem:v53+s8+$0x0], $0xffff;
	[tilespmem:s31+$0x50] =	vst v39  }
0x125: {  	v51 =	vor.u32 v23, v32;
	s1 =	sadd.s32 $0x200, s1;
	v39 =	vld.idx.msk [tilespmem:v46+s8+$0x0], $0xffff;
	v46 =	vor.u32 v3, v55;
	[tilespmem:s31+$0xF0] =	vst v38  }
0x126: {  	v38 =	vld.idx.msk [tilespmem:v48+s8+$0x0], $0xffff;
	[tilespmem:s31+$0xFFFFFF50] =	vst v35;
	v35 =	vor.u32 v25, v27;
	v48 =	vor.u32 v25, v29  }
0x127: {  	v41 =	vld.idx.msk [tilespmem:v41+s8+$0x0], $0xffff;
	[tilespmem:s31+$0xFFFFFFD0] =	vst v37  }
0x128: {  	[tilespmem:s1+$0xFFFFFF00] =	vst v43;
	v37 =	vld.idx.msk [tilespmem:v47+s8+$0x0], $0xffff  }
0x129: {  	v43 =	vld.idx.msk [tilespmem:v44+s8+$0x0], $0xffff;
	[tilespmem:s30+$0xFFFFFFB0] =	vst v49;
	v44 =	vor.u32 v26, v28;
	v28 =	vmov v30;
	v30 =	vmov v40  }
0x12a: {  	v40 =	vor.u32 v3, v42;
	[tilespmem:s30+$0x30] =	vst v50;
	v47 =	vld.idx.msk [tilespmem:v51+s8+$0x0], $0xffff  }
0x12b: {  	v49 =	vor.u32 v21, v30;
	v50 =	vor.u32 v26, v29;
	v29 =	vmov v31;
	[tilespmem:s1+$0x0] =	vst v39;
	v39 =	vld.idx.msk [tilespmem:v35+s8+$0x0], $0xffff  }
0x12c: {  	v52 =	vor.u32 v21, v55;
	v31 =	vmov v45;
	v35 =	vor.u32 v24, v32;
	[tilespmem:s1+$0x80] =	vst v38;
	v38 =	vld.idx.msk [tilespmem:v48+s8+$0x0], $0xffff  }
0x12d: {  	v53 =	vor.u32 v26, v27;
	v27 =	vmov v33;
	v45 =	vld.idx.msk [tilespmem:v46+s8+$0x0], $0xffff;
	v46 =	vor.u32 v22, v28;
	[tilespmem:s31+$0xFFFFFF60] =	vst v41  }
0x12e: {  	v33 =	vmov v42;
	[tilespmem:s1+$0xFFFFFF80] =	vst v37;
	v41 =	vld.idx.msk [tilespmem:v44+s8+$0x0], $0xffff  }
0x12f: {  	[tilespmem:s1+$0xFFFFFF10] =	vst v43;
	v54 =	vld.idx.msk [tilespmem:v40+s8+$0x0], $0xffff  }
0x130: {  	v40 =	vld.idx.msk [tilespmem:v49+s8+$0x0], $0xffff;
	[tilespmem:s30+$0xC0] =	vst v47  }
.Ltmp1:
0x131: {  	v51 =	vor.u32 v3, v31;
	[tilespmem:s30+$0xFFFFFF20] =	vst v36;
	v44 =	vld.idx.msk [tilespmem:v35+s8+$0x0], $0xffff;
	(pc) =	sbr.rel @p0 .LBB2_5-.Ltmp1, $4  }
0x132: {  	v48 =	vor.u32 v23, v29;
	v35 =	vor.u32 v24, v28;
	v42 =	vld.idx.msk [tilespmem:v46+s8+$0x0], $0xffff;
	[tilespmem:s31+$0x60] =	vst v38  }
0x133: {  	v46 =	vor.u32 v25, v32;
	v38 =	vor.u32 v26, v32;
	v32 =	vmov v55;
	[tilespmem:s1+$0x90] =	vst v45;
	v45 =	vld.idx.msk [tilespmem:v50+s8+$0x0], $0xffff  }
0x134: {  	v37 =	vor.u32 v24, v27;
	v49 =	vor.u32 v23, v28;
	v43 =	vld.idx.msk [tilespmem:v52+s8+$0x0], $0xffff;
	[tilespmem:s31+$0xFFFFFFE0] =	vst v39  }
0x135: {  	v50 =	vor.u32 v23, v27;
	v39 =	vor.u32 v24, v29;
	[tilespmem:s1+$0xFFFFFF90] =	vst v54;
	v47 =	vld.idx.msk [tilespmem:v53+s8+$0x0], $0xffff  }
0x136: {  	_ =	sdelay $0x1  }
0x137: {  	[tilespmem:s31+$0xFFFFFF70] =	vst v41  }
0x138: {  	[tilespmem:s30+$0xD0] =	vst v44  }
0x139: {  	v36 =	vld.idx.msk [tilespmem:v51+s8+$0x0], $0xffff;
	v63 =	vor.u32 v21, v33;
	[tilespmem:s1+$0xFFFFFF20] =	vst v40  }
0x13a: {  	v61 =	vor.u32 v21, v31;
	v62 =	vld.idx.msk [tilespmem:v48+s8+$0x0], $0xffff;
	[tilespmem:s30+$0xFFFFFF30] =	vst v42  }
0x13b: {  	v46 =	vld.idx.msk [tilespmem:v46+s8+$0x0], $0xffff;
	[tilespmem:s31+$0x70] =	vst v45  }
0x13c: {  	v48 =	vld.idx.msk [tilespmem:v49+s8+$0x0], $0xffff;
	[tilespmem:s1+$0xA0] =	vst v43  }
0x13d: {  	v49 =	vld.idx.msk [tilespmem:v50+s8+$0x0], $0xffff;
	[tilespmem:s31+$0xFFFFFFF0] =	vst v47  }
0x13e: {  	v50 =	vor.u32 v22, v30;
	[tilespmem:s1+$0x10] =	vst v36;
	v42 =	vld.idx.msk [tilespmem:v63+s8+$0x0], $0xffff  }
0x13f: {  	v52 =	vor.u32 v22, v33;
	[tilespmem:s30+$0x40] =	vst v62;
	v36 =	vld.idx.msk [tilespmem:v61+s8+$0x0], $0xffff  }
0x140: {  	v51 =	vor.u32 v22, v31;
	v34 =	vld.idx.msk [tilespmem:v34+s8+$0x0], $0xffff;
	[tilespmem:s30+$0xE0] =	vst v46  }
0x141: {  	v39 =	vld.idx.msk [tilespmem:v39+s8+$0x0], $0xffff;
	[tilespmem:s30+$0xFFFFFF40] =	vst v48  }
0x142: {  	[tilespmem:s30+$0xFFFFFFC0] =	vst v49;
	v38 =	vld.idx.msk [tilespmem:v38+s8+$0x0], $0xffff  }
0x143: {  	v53 =	vor.u32 v23, v32;
	v40 =	vld.idx.msk [tilespmem:v50+s8+$0x0], $0xffff;
	[tilespmem:s1+$0xFFFFFFA0] =	vst v42  }
0x144: {  	v55 =	vor.u32 v23, v30;
	[tilespmem:s1+$0x20] =	vst v36;
	v56 =	vld.idx.msk [tilespmem:v52+s8+$0x0], $0xffff  }
0x145: {  	v58 =	vor.u32 v23, v33;
	[tilespmem:s1+$0xB0] =	vst v34;
	v54 =	vld.idx.msk [tilespmem:v51+s8+$0x0], $0xffff  }
0x146: {  	v57 =	vor.u32 v23, v31;
	v35 =	vld.idx.msk [tilespmem:v35+s8+$0x0], $0xffff;
	[tilespmem:s30+$0x50] =	vst v39  }
0x147: {  	v60 =	vor.u32 v25, v29;
	v37 =	vld.idx.msk [tilespmem:v37+s8+$0x0], $0xffff;
	[tilespmem:s30+$0xF0] =	vst v38  }
0x148: {  	v59 =	vor.u32 v25, v28;
	v36 =	vld.idx.msk [tilespmem:v53+s8+$0x0], $0xffff;
	[tilespmem:s1+$0xFFFFFF30] =	vst v40  }
0x149: {  	v61 =	vor.u32 v24, v32;
	v62 =	vld.idx.msk [tilespmem:v55+s8+$0x0], $0xffff;
	[tilespmem:s1+$0xFFFFFFB0] =	vst v56  }
0x14a: {  	v63 =	vor.u32 v24, v30;
	[tilespmem:s1+$0x30] =	vst v54;
	v39 =	vld.idx.msk [tilespmem:v58+s8+$0x0], $0xffff  }
0x14b: {  	v51 =	vor.u32 v24, v33;
	[tilespmem:s30+$0xFFFFFF50] =	vst v35;
	v48 =	vld.idx.msk [tilespmem:v57+s8+$0x0], $0xffff  }
0x14c: {  	v49 =	vor.u32 v24, v31;
	v38 =	vld.idx.msk [tilespmem:v60+s8+$0x0], $0xffff;
	[tilespmem:s30+$0xFFFFFFD0] =	vst v37  }
0x14d: {  	v52 =	vor.u32 v25, v27;
	v50 =	vld.idx.msk [tilespmem:v59+s8+$0x0], $0xffff;
	[tilespmem:s1+$0xC0] =	vst v36  }
0x14e: {  	v53 =	vor.u32 v26, v28;
	v36 =	vld.idx.msk [tilespmem:v61+s8+$0x0], $0xffff;
	[tilespmem:s1+$0xFFFFFF40] =	vst v62  }
0x14f: {  	v54 =	vor.u32 v25, v32;
	v34 =	vld.idx.msk [tilespmem:v63+s8+$0x0], $0xffff;
	[tilespmem:s1+$0xFFFFFFC0] =	vst v39  }
0x150: {  	v55 =	vor.u32 v25, v30;
	[tilespmem:s1+$0x40] =	vst v48;
	v37 =	vld.idx.msk [tilespmem:v51+s8+$0x0], $0xffff  }
0x151: {  	[tilespmem:s30+$0x60] =	vst v38;
	v58 =	vor.u32 v25, v33;
	v35 =	vld.idx.msk [tilespmem:v49+s8+$0x0], $0xffff  }
0x152: {  	v56 =	vor.u32 v25, v31;
	v57 =	vld.idx.msk [tilespmem:v52+s8+$0x0], $0xffff;
	[tilespmem:s30+$0xFFFFFF60] =	vst v50  }
0x153: {  	v59 =	vor.u32 v26, v29;
	v28 =	vld.idx.msk [tilespmem:v53+s8+$0x0], $0xffff;
	[tilespmem:s1+$0xD0] =	vst v36  }
0x154: {  	v27 =	vor.u32 v26, v27;
	v36 =	vld.idx.msk [tilespmem:v54+s8+$0x0], $0xffff;
	[tilespmem:s1+$0xFFFFFF50] =	vst v34  }
0x155: {  	v60 =	vor.u32 v26, v32;
	v34 =	vld.idx.msk [tilespmem:v55+s8+$0x0], $0xffff;
	[tilespmem:s1+$0xFFFFFFD0] =	vst v37  }
0x156: {  	v61 =	vor.u32 v26, v30;
	[tilespmem:s1+$0x50] =	vst v35;
	v37 =	vld.idx.msk [tilespmem:v58+s8+$0x0], $0xffff  }
0x157: {  	v63 =	vor.u32 v26, v33;
	[tilespmem:s30+$0xFFFFFFE0] =	vst v57;
	v35 =	vld.idx.msk [tilespmem:v56+s8+$0x0], $0xffff  }
0x158: {  	v62 =	vor.u32 v26, v31;
	v29 =	vld.idx.msk [tilespmem:v59+s8+$0x0], $0xffff;
	[tilespmem:s30+$0xFFFFFF70] =	vst v28  }
0x159: {  	v27 =	vld.idx.msk [tilespmem:v27+s8+$0x0], $0xffff;
	[tilespmem:s1+$0xE0] =	vst v36  }
0x15a: {  	v32 =	vld.idx.msk [tilespmem:v60+s8+$0x0], $0xffff;
	[tilespmem:s1+$0xFFFFFF60] =	vst v34  }
0x15b: {  	v30 =	vld.idx.msk [tilespmem:v61+s8+$0x0], $0xffff;
	[tilespmem:s1+$0xFFFFFFE0] =	vst v37  }
0x15c: {  	[tilespmem:s1+$0x60] =	vst v35;
	v28 =	vld.idx.msk [tilespmem:v63+s8+$0x0], $0xffff  }
0x15d: {  	s0 =	smul.u32 $0x30, s26;
	s26 =	sadd.s32 $0x1, s26;
	[tilespmem:s30+$0x70] =	vst v29;
	v31 =	vld.idx.msk [tilespmem:v62+s8+$0x0], $0xffff  }
0x15e: {  	s9 =	smul.u32 $0x6000, s28;
	p0 =	sne.s32 s26, $0x40;
	[tilespmem:s30+$0xFFFFFFF0] =	vst v27  }
.Ltmp2:
0x15f: {  	[tilespmem:s1+$0xF0] =	vst v32;
	(pc) =	sbr.rel @p0 .LBB2_2-.Ltmp2, $4  }
0x160: {  	s0 =	sadd.s32 s5, s0;
	[tilespmem:s1+$0xFFFFFF70] =	vst v30  }
0x161: {  	s25 =	sadd.s32 $0x1, s25;
	s9 =	sshrl.u32 s9, $0x2;
	s0 =	sshll.u32 s0, $0x4;
	[tilespmem:s1+$0xFFFFFFF0] =	vst v28  }
0x162: {  	s31 =	sadd.s32 $0x5, s28;
	s0 =	sadd.s32 s3, s0;
	s30 =	sor.u32 $0x18100, s9;
	[tilespmem:s1+$0x70] =	vst v31  }
0x163: {  	[hbm4b:s0+s4] =	stream.linear.scatter [tilespmem:s30], [sflag:s31], $0x1800, $0x38;
	[tilespmem:$0x1E100] =	vst v63  }
0x164: {  	_ =	swait.ge [sflag:s20], $0x1800  }
0x165: {  	[sflag:s20] =	ssyncset.done $0x0  }
0x166: {  	[sflag:s20] =	ssyncadd.s32 $0xFFFFE800  }
0x167: {  	_ =	swait.ge [sflag:s21], $0x1800  }
0x168: {  	[sflag:s21] =	ssyncset.done $0x0  }
0x169: {  	s24 =	sadd.s32 $0x1, s24;
	[sflag:s21] =	ssyncadd.s32 $0xFFFFE800  }
0x16a: {  	p0 =	sne.s32 s24, s7;
	_ =	swait.ge [sflag:s22], $0x1800  }
.Ltmp3:
0x16b: {  	[sflag:s22] =	ssyncset.done $0x0;
	(pc) =	sbr.rel @p0 .LBB2_1-.Ltmp3, $4  }
0x16c: {  	[sflag:s22] =	ssyncadd.s32 $0xFFFFE800  }
0x16d: {  	_ =	swait.ge [sflag:s23], $0x1800  }
0x16e: {  	[sflag:s23] =	ssyncset.done $0x0  }
0x16f: {  	[sflag:s23] =	ssyncadd.s32 $0xFFFFE800  }
0x170: {  	_ =	sfence.sel $0x180000  }
0x171: {  	[bflag:$0x0] =	sbarrier.arrive $0xFFFF  }
0x172: {  	_ =	strace $0x90000047  }
0x173: {  	s0 =	stileid.u32;
	[bflag:$0x2] =	sbarrier.arrive $0xFFFF  }
0x174: {  	p0 =	sne.s32 s0, $0x0;
	s0 =	rddreg [dreg:$0x2]  }
0x175: {  	s0 =	sadd.s32 @!p0 $0x100000, s0  }
0x176: {  	[sflag:s0] =	ssyncadd.tile.s32 @!p0 $0x1;
	_ =	shalt  }
.Lfunc_end2:
_tile_overlayer_lowered:
.L_overlay_start_2:
0x177: {  	(tag) =	ssettag $0x2  }
0x178: {  	s0 =	rddreg [dreg:$0x0];
	s2 =	stileid.u32  }
0x179: {  	s1 =	rddreg [dreg:$0x1];
	p0 =	sne.s32 s2, $0x0  }
0x17a: {  	s3 =	rddreg [dreg:$0x2];
	[bflag:$0x3] =	sbarrier.arrive $0xFFFF;
	s2 =	simm.s32 @!p0 $0x1C09  }
0x17b: {  	[timem:s3], [sflag:s2] =	dma.local @!p0 [hbm:s0], s1  }
0x17c: {  	s0 =	simm.s32 @!p0 $0x9  }
0x17d: {  	_ =	swait.ge @!p0 [sflag:s0], s1  }
0x17e: {  	s1 =	ssub.s32 @!p0 $0x0, s1;
	[sflag:s0] =	ssyncset.done @!p0 $0x0  }
0x17f: {  	[sflag:s0] =	ssyncadd.s32 @!p0 s1  }
0x180: {  	[bflag:$0x3] =	sbarrier.arrive $0xFFFF  }
0x181: {  	_ =	shalt  }

</sc_bundles>
